<compile_context>
chip_gen: v7x
topology: tpu7x:2x2x1
jax: 0.10.2.dev20260603
libtpu: 0.0.44.dev20260713+nightly
codegen_flags: <defaults>
</compile_context>

<pallas_src>
import jax
import jax.numpy as jnp
from jax import lax
from jax.experimental import pallas as pl
from jax.experimental.pallas import tpu as pltpu
from jax.experimental.pallas import tpu_sc as plsc

NC = 2
NS = 16
NW = NC * NS
PB = 128
DEG_W = 16


def _sc_degree(col3d, nb, acc_rows, n):
    mesh = plsc.VectorSubcoreMesh(core_axis_name="c", subcore_axis_name="s")
    nz = acc_rows // (NS * PB)

    def body(col_hbm, out_hbm, cbuf, ones, acc):
        cid = lax.axis_index("c")
        sid = lax.axis_index("s")
        wid = sid * NC + cid

        def fill(i, _):
            ones[i, :] = jnp.zeros((DEG_W,), jnp.float32)
            return 0
        lax.fori_loop(0, PB, fill, 0)

        def zacc(k, _):
            pltpu.sync_copy(ones, acc.at[pl.ds((sid * nz + k) * PB, PB)])
            return 0
        lax.fori_loop(0, nz, zacc, 0)

        def fill1(i, _):
            ones[i, :] = jnp.ones((DEG_W,), jnp.float32)
            return 0
        lax.fori_loop(0, PB, fill1, 0)
        plsc.subcore_barrier()

        pltpu.sync_copy(col_hbm.at[wid], cbuf)

        def step(j, _):
            pltpu.sync_copy(ones, acc.at[cbuf.at[j]], add=True)
            return 0
        lax.fori_loop(0, nb, step, 0)
        plsc.subcore_barrier()

        @pl.when(sid == 0)
        def _():
            pltpu.sync_copy(acc.at[pl.ds(0, n)], out_hbm.at[cid])

    return pl.kernel(
        body,
        out_type=jax.ShapeDtypeStruct((NC, n, DEG_W), jnp.float32),
        mesh=mesh,
        scratch_types=[
            pltpu.VMEM((nb, PB), jnp.int32),
            pltpu.VMEM((PB, DEG_W), jnp.float32),
            pltpu.VMEM_SHARED((acc_rows, DEG_W), jnp.float32),
        ],
    )(col3d)


def _sc_scatter(hs, row3d, col3d, nb, acc_rows, n, d):
    mesh = plsc.VectorSubcoreMesh(core_axis_name="c", subcore_axis_name="s")
    nz = acc_rows // (NS * PB)

    def body(hs_hbm, row_hbm, col_hbm, out_hbm, rbuf, cbuf, rows, acc, sem):
        cid = lax.axis_index("c")
        sid = lax.axis_index("s")
        wid = sid * NC + cid

        def zrow(i, _):
            def zcol(j, _):
                rows[i, pl.ds(j * 16, 16)] = jnp.zeros((16,), jnp.float32)
                return 0
            return lax.fori_loop(0, d // 16, zcol, 0)
        lax.fori_loop(0, PB, zrow, 0)

        def zacc(k, _):
            pltpu.sync_copy(rows, acc.at[pl.ds((sid * nz + k) * PB, PB)])
            return 0
        lax.fori_loop(0, nz, zacc, 0)
        plsc.subcore_barrier()

        pltpu.sync_copy(row_hbm.at[wid], rbuf)
        pltpu.sync_copy(col_hbm.at[wid], cbuf)

        def step(j, _):
            pltpu.async_copy(hs_hbm.at[rbuf.at[j]], rows, sem).wait()
            pltpu.sync_copy(rows, acc.at[cbuf.at[j]], add=True)
            return 0
        lax.fori_loop(0, nb, step, 0)
        plsc.subcore_barrier()

        @pl.when(sid == 0)
        def _():
            pltpu.sync_copy(acc.at[pl.ds(0, n)], out_hbm.at[cid])

    return pl.kernel(
        body,
        out_type=jax.ShapeDtypeStruct((NC, n, d), jnp.float32),
        mesh=mesh,
        scratch_types=[
            pltpu.VMEM((nb, PB), jnp.int32),
            pltpu.VMEM((nb, PB), jnp.int32),
            pltpu.VMEM((PB, d), jnp.float32),
            pltpu.VMEM_SHARED((acc_rows, d), jnp.float32),
            pltpu.SemaphoreType.DMA,
        ],
    )(hs, row3d, col3d)


def _dinv_of(dp_ref):
    dtot = dp_ref[0, :, 0:1] + dp_ref[1, :, 0:1] + 1.0
    return lax.rsqrt(dtot)


def _tc_first(x, w1, degp, blk):
    n, din = x.shape
    dh = w1.shape[1]

    def body(x_ref, w_ref, dp_ref, o_ref):
        dinv = _dinv_of(dp_ref)
        h = jnp.dot(x_ref[...], w_ref[...], preferred_element_type=jnp.float32)
        o_ref[...] = h * dinv

    return pl.pallas_call(
        body,
        grid=(n // blk,),
        in_specs=[
            pl.BlockSpec((blk, din), lambda i: (i, 0)),
            pl.BlockSpec((din, dh), lambda i: (0, 0)),
            pl.BlockSpec((2, blk, DEG_W), lambda i: (0, i, 0)),
        ],
        out_specs=pl.BlockSpec((blk, dh), lambda i: (i, 0)),
        out_shape=jax.ShapeDtypeStruct((n, dh), jnp.float32),
    )(x, w1, degp)


def _tc_mid(p1, hs1, degp, b1, w2, blk):
    n, dh = hs1.shape
    dout = w2.shape[1]

    def body(p_ref, hs_ref, dp_ref, b_ref, w_ref, o_ref):
        dinv = _dinv_of(dp_ref)
        s = (p_ref[0] + p_ref[1] + hs_ref[...]) * dinv
        z = jnp.maximum(s + b_ref[...], 0.0)
        h = jnp.dot(z, w_ref[...], preferred_element_type=jnp.float32)
        o_ref[...] = h * dinv

    return pl.pallas_call(
        body,
        grid=(n // blk,),
        in_specs=[
            pl.BlockSpec((2, blk, dh), lambda i: (0, i, 0)),
            pl.BlockSpec((blk, dh), lambda i: (i, 0)),
            pl.BlockSpec((2, blk, DEG_W), lambda i: (0, i, 0)),
            pl.BlockSpec((1, dh), lambda i: (0, 0)),
            pl.BlockSpec((dh, dout), lambda i: (0, 0)),
        ],
        out_specs=pl.BlockSpec((blk, dout), lambda i: (i, 0)),
        out_shape=jax.ShapeDtypeStruct((n, dout), jnp.float32),
    )(p1, hs1, degp, b1, w2)


def _tc_last(p2, hs2, degp, b2, blk):
    n, dout = hs2.shape

    def body(p_ref, hs_ref, dp_ref, b_ref, o_ref):
        dinv = _dinv_of(dp_ref)
        o_ref[...] = (p_ref[0] + p_ref[1] + hs_ref[...]) * dinv + b_ref[...]

    return pl.pallas_call(
        body,
        grid=(n // blk,),
        in_specs=[
            pl.BlockSpec((2, blk, dout), lambda i: (0, i, 0)),
            pl.BlockSpec((blk, dout), lambda i: (i, 0)),
            pl.BlockSpec((2, blk, DEG_W), lambda i: (0, i, 0)),
            pl.BlockSpec((1, dout), lambda i: (0, 0)),
        ],
        out_specs=pl.BlockSpec((blk, dout), lambda i: (i, 0)),
        out_shape=jax.ShapeDtypeStruct((n, dout), jnp.float32),
    )(p2, hs2, degp, b2)


def kernel(x, edge_index, W1, b1, W2, b2):
    n, din = x.shape
    dh = W1.shape[1]
    dout = W2.shape[1]
    e = edge_index.shape[1]

    row = edge_index[0]
    col = edge_index[1]
    nb = -(-e // (NW * PB))
    e_pad = NW * PB * nb
    pad = e_pad - e
    row_p = jnp.concatenate([row, jnp.zeros((pad,), jnp.int32)]).reshape(NW, nb, PB)
    col_p = jnp.concatenate([col, jnp.full((pad,), n, jnp.int32)]).reshape(NW, nb, PB)

    tile_rows = NS * PB
    acc_rows = -(-(n + 1) // tile_rows) * tile_rows
    blk = 2000

    degp = _sc_degree(col_p, nb, acc_rows, n)
    hs1 = _tc_first(x, W1, degp, blk)
    p1 = _sc_scatter(hs1, row_p, col_p, nb, acc_rows, n, dh)
    hs2 = _tc_mid(p1, hs1, degp, b1.reshape(1, dh), W2, blk)
    p2 = _sc_scatter(hs2, row_p, col_p, nb, acc_rows, n, dh)
    out = _tc_last(p2, hs2, degp, b2.reshape(1, dout), blk)
    return out

# --- scband reference (transcript-rebuilt; emitter-appended) ---
"""Pipeline reference for scband-gcn-net-3375844294689 (READ-ONLY COPY).

The authoritative reference and input builder live on the scoring server;
editing this copy changes nothing except your own understanding.
"""

import jax, jax.numpy as jnp
import numpy as np

N = 10000
E = 320000
D_IN = 128
D_H = 128
D_OUT = 128


def setup_inputs(seed: int = 0) -> dict:
    key = jax.random.key(seed)
    k1, k2, k3, k4 = jax.random.split(key, 4)
    x = jax.random.normal(k1, (N, D_IN), dtype=jnp.float32)
    edge_index = jax.random.randint(k2, (2, E), 0, N, dtype=jnp.int32)
    # GCNConv learned params: weight [in, out] (applied as x @ W) and bias [out]
    W1 = jax.random.normal(k3, (D_IN, D_H), dtype=jnp.float32) * (1.0 / np.sqrt(D_IN))
    b1 = jnp.zeros((D_H,), dtype=jnp.float32)
    W2 = jax.random.normal(k4, (D_H, D_OUT), dtype=jnp.float32) * (1.0 / np.sqrt(D_H))
    b2 = jnp.zeros((D_OUT,), dtype=jnp.float32)
    return {"x": x, "edge_index": edge_index, "W1": W1, "b1": b1, "W2": W2, "b2": b2}


def _gcn_conv(x, row, col, W, b, n):
    # Linear transform
    h = x @ W
    # Symmetric normalization deg^{-1/2} A_hat deg^{-1/2} (self loops already in row/col)
    ew = jnp.ones(row.shape[0], dtype=h.dtype)
    deg = jax.ops.segment_sum(ew, col, num_segments=n)
    dinv = jnp.where(deg > 0, 1.0 / jnp.sqrt(deg), 0.0)
    norm = dinv[row] * dinv[col]
    # Gather source features, scale, scatter-add to destination
    msg = h[row] * norm[:, None]
    out = jax.ops.segment_sum(msg, col, num_segments=n)
    return out + b


def reference(x, edge_index, W1, b1, W2, b2):
    n = x.shape[0]
    sl = jnp.arange(n, dtype=edge_index.dtype)
    row = jnp.concatenate([edge_index[0], sl])
    col = jnp.concatenate([edge_index[1], sl])
    h = _gcn_conv(x, row, col, W1, b1, n)
    h = jax.nn.relu(h)
    # F.dropout with training=False is identity (eval-mode reference)
    out = _gcn_conv(h, row, col, W2, b2, n)
    return out

if __name__ == "__main__":
    import jax
    _d = setup_inputs()
    print(jax.jit(kernel)(*tuple(_d.values())))

</pallas_src>

<mosaic_0001>
#map = affine_map<(d0, d1) -> (0, 0)>
#map1 = affine_map<(d0, d1) -> (0, 0, 0)>
module attributes {stable_mosaic.version = 14 : i64} {
  func.func @body(%arg0: i32, %arg1: i32, %arg2: memref<10000x128xf32, #tpu.memory_space<hbm>>, %arg3: memref<32x79x128xi32, #tpu.memory_space<hbm>>, %arg4: memref<32x79x128xi32, #tpu.memory_space<hbm>>, %arg5: memref<2x10000x128xf32, #tpu.memory_space<hbm>>, %arg6: memref<79x128xi32, #tpu.memory_space<vmem>>, %arg7: memref<79x128xi32, #tpu.memory_space<vmem>>, %arg8: memref<128x128xf32, #tpu.memory_space<vmem>>, %arg9: memref<10240x128xf32, #tpu.memory_space<vmem_shared>>, %arg10: memref<!tpu.dma_semaphore, #tpu.memory_space<semaphore_mem>>) attributes {dimension_semantics = [#tpu.dimension_semantics<core_parallel>, #tpu.dimension_semantics<subcore_parallel>], iteration_bounds = array<i64: 2, 16>, scalar_prefetch = 0 : i64, scratch_operands = 5 : i64, tpu.core_type = #tpu.core_type<sc_vector_subcore>, window_params = [{transform_indices = #map}, {transform_indices = #map1}, {transform_indices = #map1}, {transform_indices = #map1}]} {
    %mul3A = arith.constant 2 : i32
    %mul3A_0 = arith.muli %arg1, %mul3A : i32
    %add3A = arith.addi %mul3A_0, %arg0 : i32
    %scan3A = arith.constant 0 : i32
    %scan3A_1 = arith.constant 0 : i32
    %scan3A_2 = arith.constant 128 : i32
    %scan3A_3 = arith.addi %scan3A_1, %scan3A_2 : i32
    %scan3A_4 = arith.constant 1 : i32
    %scan3A_5 = scf.for %scan3A_24 = %scan3A_1 to %scan3A_3 step %scan3A_4 iter_args(%scan3A_25 = %scan3A) -> (i32)  : i32 {
      %scan3A_26 = arith.constant 0 : i32
      %scan3A_27 = arith.constant 0 : i32
      %scan3A_28 = arith.constant 8 : i32
      %scan3A_29 = arith.addi %scan3A_27, %scan3A_28 : i32
      %scan3A_30 = arith.constant 1 : i32
      %scan3A_31 = scf.for %scan3A_33 = %scan3A_27 to %scan3A_29 step %scan3A_30 iter_args(%scan3A_34 = %scan3A_26) -> (i32)  : i32 {
        %broadcast_in_dim3A = arith.constant 0.000000e+00 : f32
        %broadcast_in_dim3A_35 = vector.broadcast %broadcast_in_dim3A : f32 to vector<16xf32>
        %mul3A_36 = arith.constant 16 : i32
        %mul3A_37 = arith.muli %scan3A_33, %mul3A_36 : i32
        %swap3A = arith.index_cast %scan3A_24 : i32 to index
        %swap3A_38 = arith.index_cast %mul3A_37 : i32 to index
        %swap3A_39 = tpu.vector_load %arg8[%swap3A, %swap3A_38] {strides = array<i32>} : memref<128x128xf32, #tpu.memory_space<vmem>>, vector<1x16xf32>,
        %swap3A_40 = vector.shape_cast %swap3A_39 : vector<1x16xf32> to vector<16xf32>
        %swap3A_41 = vector.shape_cast %broadcast_in_dim3A_35 : vector<16xf32> to vector<1x16xf32>
        tpu.vector_store %arg8[%swap3A, %swap3A_38], %swap3A_41 {strides = array<i32>} : memref<128x128xf32, #tpu.memory_space<vmem>>, vector<1x16xf32>,
        %scan3A_42 = arith.constant 0 : i32
        scf.yield %scan3A_42 : i32
      }
      %scan3A_32 = arith.constant 8 : i32
      scf.yield %scan3A_31 : i32
    }
    %scan3A_6 = arith.constant 128 : i32
    %scan3A_7 = arith.constant 0 : i32
    %scan3A_8 = arith.constant 0 : i32
    %scan3A_9 = arith.constant 5 : i32
    %scan3A_10 = arith.addi %scan3A_8, %scan3A_9 : i32
    %scan3A_11 = arith.constant 1 : i32
    %scan3A_12 = scf.for %scan3A_24 = %scan3A_8 to %scan3A_10 step %scan3A_11 iter_args(%scan3A_25 = %scan3A_7) -> (i32)  : i32 {
      %mul3A_26 = arith.constant 5 : i32
      %mul3A_27 = arith.muli %arg1, %mul3A_26 : i32
      %add3A_28 = arith.addi %mul3A_27, %scan3A_24 : i32
      %mul3A_29 = arith.constant 128 : i32
      %mul3A_30 = arith.muli %add3A_28, %mul3A_29 : i32
      "tpu.region"() ({
        %run_scoped3A = tpu.sem_alloc : memref<!tpu.dma_semaphore, #tpu.memory_space<semaphore_mem>>
        %dma_start3A = arith.constant 0 : i32
        %dma_start3A_32 = tpu.memref_slice %arg9[%mul3A_30, %dma_start3A] : memref<10240x128xf32, #tpu.memory_space<vmem_shared>> -> memref<128x128xf32, #tpu.memory_space<vmem_shared>>
        %dma_start3A_33 = arith.constant 0 : i32
        %dma_start3A_34 = tpu.memref_slice %arg9[%mul3A_30, %dma_start3A_33] : memref<10240x128xf32, #tpu.memory_space<vmem_shared>> -> memref<128x128xf32, #tpu.memory_space<vmem_shared>>
        tpu.enqueue_dma source(%arg8 : memref<128x128xf32, #tpu.memory_space<vmem>>) target(%dma_start3A_34 : memref<128x128xf32, #tpu.memory_space<vmem_shared>>) target_semaphore(%run_scoped3A : memref<!tpu.dma_semaphore, #tpu.memory_space<semaphore_mem>>)
        %dma_wait3A = arith.constant 0 : i32
        %dma_wait3A_35 = tpu.memref_slice %arg9[%mul3A_30, %dma_wait3A] : memref<10240x128xf32, #tpu.memory_space<vmem_shared>> -> memref<128x128xf32, #tpu.memory_space<vmem_shared>>
        %dma_wait3A_36 = arith.constant 0 : i32
        %dma_wait3A_37 = tpu.memref_slice %arg9[%mul3A_30, %dma_wait3A_36] : memref<10240x128xf32, #tpu.memory_space<vmem_shared>> -> memref<128x128xf32, #tpu.memory_space<vmem_shared>>
        tpu.wait_dma2 semaphore(%run_scoped3A : memref<!tpu.dma_semaphore, #tpu.memory_space<semaphore_mem>>) src(%arg8 : memref<128x128xf32, #tpu.memory_space<vmem>>) dst(%dma_wait3A_37 : memref<128x128xf32, #tpu.memory_space<vmem_shared>>)
        tpu.yield
      }) : () -> ()
      %scan3A_31 = arith.constant 0 : i32
      scf.yield %scan3A_31 : i32
    }
    %scan3A_13 = arith.constant 5 : i32
    %barrier3A = arith.constant 0 : index
    tpu.barrier barrier_id(%barrier3A)
    "tpu.region"() ({
      %run_scoped3A = tpu.sem_alloc : memref<!tpu.dma_semaphore, #tpu.memory_space<semaphore_mem>>
      %dma_start3A = arith.constant 0 : i32
      %dma_start3A_24 = arith.constant 0 : i32
      %dma_start3A_25 = tpu.memref_slice %arg3[%add3A, %dma_start3A, %dma_start3A_24] : memref<32x79x128xi32, #tpu.memory_space<hbm>> -> memref<1x79x128xi32, #tpu.memory_space<hbm>>
      %dma_start3A_26 = tpu.memref_squeeze %dma_start3A_25 : memref<1x79x128xi32, #tpu.memory_space<hbm>> -> memref<79x128xi32, #tpu.memory_space<hbm>>
      %dma_start3A_27 = arith.constant 0 : i32
      %dma_start3A_28 = arith.constant 0 : i32
      %dma_start3A_29 = tpu.memref_slice %arg3[%add3A, %dma_start3A_27, %dma_start3A_28] : memref<32x79x128xi32, #tpu.memory_space<hbm>> -> memref<1x79x128xi32, #tpu.memory_space<hbm>>
      %dma_start3A_30 = tpu.memref_squeeze %dma_start3A_29 : memref<1x79x128xi32, #tpu.memory_space<hbm>> -> memref<79x128xi32, #tpu.memory_space<hbm>>
      tpu.enqueue_dma source(%dma_start3A_30 : memref<79x128xi32, #tpu.memory_space<hbm>>) target(%arg6 : memref<79x128xi32, #tpu.memory_space<vmem>>) target_semaphore(%run_scoped3A : memref<!tpu.dma_semaphore, #tpu.memory_space<semaphore_mem>>)
      %dma_wait3A = arith.constant 0 : i32
      %dma_wait3A_31 = arith.constant 0 : i32
      %dma_wait3A_32 = tpu.memref_slice %arg3[%add3A, %dma_wait3A, %dma_wait3A_31] : memref<32x79x128xi32, #tpu.memory_space<hbm>> -> memref<1x79x128xi32, #tpu.memory_space<hbm>>
      %dma_wait3A_33 = tpu.memref_squeeze %dma_wait3A_32 : memref<1x79x128xi32, #tpu.memory_space<hbm>> -> memref<79x128xi32, #tpu.memory_space<hbm>>
      %dma_wait3A_34 = arith.constant 0 : i32
      %dma_wait3A_35 = arith.constant 0 : i32
      %dma_wait3A_36 = tpu.memref_slice %arg3[%add3A, %dma_wait3A_34, %dma_wait3A_35] : memref<32x79x128xi32, #tpu.memory_space<hbm>> -> memref<1x79x128xi32, #tpu.memory_space<hbm>>
      %dma_wait3A_37 = tpu.memref_squeeze %dma_wait3A_36 : memref<1x79x128xi32, #tpu.memory_space<hbm>> -> memref<79x128xi32, #tpu.memory_space<hbm>>
      tpu.wait_dma2 semaphore(%run_scoped3A : memref<!tpu.dma_semaphore, #tpu.memory_space<semaphore_mem>>) src(%dma_wait3A_37 : memref<79x128xi32, #tpu.memory_space<hbm>>) dst(%arg6 : memref<79x128xi32, #tpu.memory_space<vmem>>)
      tpu.yield
    }) : () -> ()
    "tpu.region"() ({
      %run_scoped3A = tpu.sem_alloc : memref<!tpu.dma_semaphore, #tpu.memory_space<semaphore_mem>>
      %dma_start3A = arith.constant 0 : i32
      %dma_start3A_24 = arith.constant 0 : i32
      %dma_start3A_25 = tpu.memref_slice %arg4[%add3A, %dma_start3A, %dma_start3A_24] : memref<32x79x128xi32, #tpu.memory_space<hbm>> -> memref<1x79x128xi32, #tpu.memory_space<hbm>>
      %dma_start3A_26 = tpu.memref_squeeze %dma_start3A_25 : memref<1x79x128xi32, #tpu.memory_space<hbm>> -> memref<79x128xi32, #tpu.memory_space<hbm>>
      %dma_start3A_27 = arith.constant 0 : i32
      %dma_start3A_28 = arith.constant 0 : i32
      %dma_start3A_29 = tpu.memref_slice %arg4[%add3A, %dma_start3A_27, %dma_start3A_28] : memref<32x79x128xi32, #tpu.memory_space<hbm>> -> memref<1x79x128xi32, #tpu.memory_space<hbm>>
      %dma_start3A_30 = tpu.memref_squeeze %dma_start3A_29 : memref<1x79x128xi32, #tpu.memory_space<hbm>> -> memref<79x128xi32, #tpu.memory_space<hbm>>
      tpu.enqueue_dma source(%dma_start3A_30 : memref<79x128xi32, #tpu.memory_space<hbm>>) target(%arg7 : memref<79x128xi32, #tpu.memory_space<vmem>>) target_semaphore(%run_scoped3A : memref<!tpu.dma_semaphore, #tpu.memory_space<semaphore_mem>>)
      %dma_wait3A = arith.constant 0 : i32
      %dma_wait3A_31 = arith.constant 0 : i32
      %dma_wait3A_32 = tpu.memref_slice %arg4[%add3A, %dma_wait3A, %dma_wait3A_31] : memref<32x79x128xi32, #tpu.memory_space<hbm>> -> memref<1x79x128xi32, #tpu.memory_space<hbm>>
      %dma_wait3A_33 = tpu.memref_squeeze %dma_wait3A_32 : memref<1x79x128xi32, #tpu.memory_space<hbm>> -> memref<79x128xi32, #tpu.memory_space<hbm>>
      %dma_wait3A_34 = arith.constant 0 : i32
      %dma_wait3A_35 = arith.constant 0 : i32
      %dma_wait3A_36 = tpu.memref_slice %arg4[%add3A, %dma_wait3A_34, %dma_wait3A_35] : memref<32x79x128xi32, #tpu.memory_space<hbm>> -> memref<1x79x128xi32, #tpu.memory_space<hbm>>
      %dma_wait3A_37 = tpu.memref_squeeze %dma_wait3A_36 : memref<1x79x128xi32, #tpu.memory_space<hbm>> -> memref<79x128xi32, #tpu.memory_space<hbm>>
      tpu.wait_dma2 semaphore(%run_scoped3A : memref<!tpu.dma_semaphore, #tpu.memory_space<semaphore_mem>>) src(%dma_wait3A_37 : memref<79x128xi32, #tpu.memory_space<hbm>>) dst(%arg7 : memref<79x128xi32, #tpu.memory_space<vmem>>)
      tpu.yield
    }) : () -> ()
    %scan3A_14 = arith.constant 0 : i32
    %scan3A_15 = arith.constant 0 : i32
    %scan3A_16 = arith.constant 79 : i32
    %scan3A_17 = arith.addi %scan3A_15, %scan3A_16 : i32
    %scan3A_18 = arith.constant 1 : i32
    %scan3A_19 = scf.for %scan3A_24 = %scan3A_15 to %scan3A_17 step %scan3A_18 iter_args(%scan3A_25 = %scan3A_14) -> (i32)  : i32 {
      %dma_start3A = arith.constant 0 : i32
      %dma_start3A_26 = tpu.memref_slice %arg6[%scan3A_24, %dma_start3A] : memref<79x128xi32, #tpu.memory_space<vmem>> -> memref<1x128xi32, #tpu.memory_space<vmem>>
      %dma_start3A_27 = tpu.memref_squeeze %dma_start3A_26 : memref<1x128xi32, #tpu.memory_space<vmem>> -> memref<128xi32, #tpu.memory_space<vmem>>
      %dma_start3A_28 = arith.constant 0 : i32
      %dma_start3A_29 = arith.constant 0 : i32
      %dma_start3A_30 = tpu.memref_slice %arg2[%dma_start3A_28, %dma_start3A_29] : memref<10000x128xf32, #tpu.memory_space<hbm>> -> memref<10000x128xf32, #tpu.memory_space<hbm>>
      tpu.enqueue_indirect_dma source(%dma_start3A_30 : memref<10000x128xf32, #tpu.memory_space<hbm>>) target(%arg8 : memref<128x128xf32, #tpu.memory_space<vmem>>) offsets(%dma_start3A_27 : memref<128xi32, #tpu.memory_space<vmem>>) semaphore(%arg10 : memref<!tpu.dma_semaphore, #tpu.memory_space<semaphore_mem>>)
      %dma_wait3A = arith.constant 0 : i32
      %dma_wait3A_31 = tpu.memref_slice %arg6[%scan3A_24, %dma_wait3A] : memref<79x128xi32, #tpu.memory_space<vmem>> -> memref<1x128xi32, #tpu.memory_space<vmem>>
      %dma_wait3A_32 = tpu.memref_squeeze %dma_wait3A_31 : memref<1x128xi32, #tpu.memory_space<vmem>> -> memref<128xi32, #tpu.memory_space<vmem>>
      %dma_wait3A_33 = arith.constant 0 : i32
      %dma_wait3A_34 = arith.constant 0 : i32
      %dma_wait3A_35 = tpu.memref_slice %arg2[%dma_wait3A_33, %dma_wait3A_34] : memref<10000x128xf32, #tpu.memory_space<hbm>> -> memref<10000x128xf32, #tpu.memory_space<hbm>>
      tpu.wait_indirect_dma semaphore(%arg10 : memref<!tpu.dma_semaphore, #tpu.memory_space<semaphore_mem>>) src(%dma_wait3A_35 : memref<10000x128xf32, #tpu.memory_space<hbm>>) dst(%arg8 : memref<128x128xf32, #tpu.memory_space<vmem>>)
      "tpu.region"() ({
        %run_scoped3A = tpu.sem_alloc : memref<!tpu.dma_semaphore, #tpu.memory_space<semaphore_mem>>
        %dma_start3A_37 = arith.constant 0 : i32
        %dma_start3A_38 = tpu.memref_slice %arg7[%scan3A_24, %dma_start3A_37] : memref<79x128xi32, #tpu.memory_space<vmem>> -> memref<1x128xi32, #tpu.memory_space<vmem>>
        %dma_start3A_39 = tpu.memref_squeeze %dma_start3A_38 : memref<1x128xi32, #tpu.memory_space<vmem>> -> memref<128xi32, #tpu.memory_space<vmem>>
        %dma_start3A_40 = arith.constant 0 : i32
        %dma_start3A_41 = arith.constant 0 : i32
        %dma_start3A_42 = tpu.memref_slice %arg9[%dma_start3A_40, %dma_start3A_41] : memref<10240x128xf32, #tpu.memory_space<vmem_shared>> -> memref<10240x128xf32, #tpu.memory_space<vmem_shared>>
        tpu.enqueue_indirect_dma source(%arg8 : memref<128x128xf32, #tpu.memory_space<vmem>>) target(%dma_start3A_42 : memref<10240x128xf32, #tpu.memory_space<vmem_shared>>) offsets(%dma_start3A_39 : memref<128xi32, #tpu.memory_space<vmem>>) semaphore(%run_scoped3A : memref<!tpu.dma_semaphore, #tpu.memory_space<semaphore_mem>>) {add = true}
        %dma_wait3A_43 = arith.constant 0 : i32
        %dma_wait3A_44 = tpu.memref_slice %arg7[%scan3A_24, %dma_wait3A_43] : memref<79x128xi32, #tpu.memory_space<vmem>> -> memref<1x128xi32, #tpu.memory_space<vmem>>
        %dma_wait3A_45 = tpu.memref_squeeze %dma_wait3A_44 : memref<1x128xi32, #tpu.memory_space<vmem>> -> memref<128xi32, #tpu.memory_space<vmem>>
        %dma_wait3A_46 = arith.constant 0 : i32
        %dma_wait3A_47 = arith.constant 0 : i32
        %dma_wait3A_48 = tpu.memref_slice %arg9[%dma_wait3A_46, %dma_wait3A_47] : memref<10240x128xf32, #tpu.memory_space<vmem_shared>> -> memref<10240x128xf32, #tpu.memory_space<vmem_shared>>
        tpu.wait_indirect_dma semaphore(%run_scoped3A : memref<!tpu.dma_semaphore, #tpu.memory_space<semaphore_mem>>) src(%arg8 : memref<128x128xf32, #tpu.memory_space<vmem>>) dst(%dma_wait3A_48 : memref<10240x128xf32, #tpu.memory_space<vmem_shared>>)
        tpu.yield
      }) : () -> ()
      %scan3A_36 = arith.constant 0 : i32
      scf.yield %scan3A_36 : i32
    }
    %scan3A_20 = arith.constant 79 : i32
    %barrier3A_21 = arith.constant 0 : index
    tpu.barrier barrier_id(%barrier3A_21)
    %eq3A = arith.constant 0 : i32
    %eq3A_22 = arith.cmpi eq, %arg1, %eq3A : i32
    %convert_element_type3A = arith.extui %eq3A_22 : i1 to i32
    %cond3A = arith.constant 0 : i32
    %cond3A_23 = arith.cmpi ne, %convert_element_type3A, %cond3A : i32
    scf.if %cond3A_23 {
      "tpu.region"() ({
        %run_scoped3A = tpu.sem_alloc : memref<!tpu.dma_semaphore, #tpu.memory_space<semaphore_mem>>
        %dma_start3A = arith.constant 0 : i32
        %dma_start3A_24 = arith.constant 0 : i32
        %dma_start3A_25 = tpu.memref_slice %arg5[%arg0, %dma_start3A, %dma_start3A_24] : memref<2x10000x128xf32, #tpu.memory_space<hbm>> -> memref<1x10000x128xf32, #tpu.memory_space<hbm>>
        %dma_start3A_26 = tpu.memref_squeeze %dma_start3A_25 : memref<1x10000x128xf32, #tpu.memory_space<hbm>> -> memref<10000x128xf32, #tpu.memory_space<hbm>>
        %dma_start3A_27 = arith.constant 0 : i32
        %dma_start3A_28 = arith.constant 0 : i32
        %dma_start3A_29 = tpu.memref_slice %arg9[%dma_start3A_27, %dma_start3A_28] : memref<10240x128xf32, #tpu.memory_space<vmem_shared>> -> memref<10000x128xf32, #tpu.memory_space<vmem_shared>>
        tpu.enqueue_dma source(%dma_start3A_29 : memref<10000x128xf32, #tpu.memory_space<vmem_shared>>) target(%dma_start3A_26 : memref<10000x128xf32, #tpu.memory_space<hbm>>) target_semaphore(%run_scoped3A : memref<!tpu.dma_semaphore, #tpu.memory_space<semaphore_mem>>)
        %dma_wait3A = arith.constant 0 : i32
        %dma_wait3A_30 = arith.constant 0 : i32
        %dma_wait3A_31 = tpu.memref_slice %arg5[%arg0, %dma_wait3A, %dma_wait3A_30] : memref<2x10000x128xf32, #tpu.memory_space<hbm>> -> memref<1x10000x128xf32, #tpu.memory_space<hbm>>
        %dma_wait3A_32 = tpu.memref_squeeze %dma_wait3A_31 : memref<1x10000x128xf32, #tpu.memory_space<hbm>> -> memref<10000x128xf32, #tpu.memory_space<hbm>>
        %dma_wait3A_33 = arith.constant 0 : i32
        %dma_wait3A_34 = arith.constant 0 : i32
        %dma_wait3A_35 = tpu.memref_slice %arg9[%dma_wait3A_33, %dma_wait3A_34] : memref<10240x128xf32, #tpu.memory_space<vmem_shared>> -> memref<10000x128xf32, #tpu.memory_space<vmem_shared>>
        tpu.wait_dma2 semaphore(%run_scoped3A : memref<!tpu.dma_semaphore, #tpu.memory_space<semaphore_mem>>) src(%dma_wait3A_35 : memref<10000x128xf32, #tpu.memory_space<vmem_shared>>) dst(%dma_wait3A_32 : memref<10000x128xf32, #tpu.memory_space<hbm>>)
        tpu.yield
      }) : () -> ()
    } else {
    }
    return
  }
}

#map = affine_map<(d0, d1) -> (0, 0, 0)>
module attributes {stable_mosaic.version = 14 : i64} {
  func.func @body(%arg0: i32, %arg1: i32, %arg2: memref<32x79x128xi32, #tpu.memory_space<hbm>>, %arg3: memref<2x10000x16xf32, #tpu.memory_space<hbm>>, %arg4: memref<79x128xi32, #tpu.memory_space<vmem>>, %arg5: memref<128x16xf32, #tpu.memory_space<vmem>>, %arg6: memref<10240x16xf32, #tpu.memory_space<vmem_shared>>) attributes {dimension_semantics = [#tpu.dimension_semantics<core_parallel>, #tpu.dimension_semantics<subcore_parallel>], iteration_bounds = array<i64: 2, 16>, scalar_prefetch = 0 : i64, scratch_operands = 3 : i64, tpu.core_type = #tpu.core_type<sc_vector_subcore>, window_params = [{transform_indices = #map}, {transform_indices = #map}]} {
    %mul3A = arith.constant 2 : i32
    %mul3A_0 = arith.muli %arg1, %mul3A : i32
    %add3A = arith.addi %mul3A_0, %arg0 : i32
    %scan3A = arith.constant 0 : i32
    %scan3A_1 = arith.constant 0 : i32
    %scan3A_2 = arith.constant 128 : i32
    %scan3A_3 = arith.addi %scan3A_1, %scan3A_2 : i32
    %scan3A_4 = arith.constant 1 : i32
    %scan3A_5 = scf.for %scan3A_31 = %scan3A_1 to %scan3A_3 step %scan3A_4 iter_args(%scan3A_32 = %scan3A) -> (i32)  : i32 {
      %broadcast_in_dim3A = arith.constant 0.000000e+00 : f32
      %broadcast_in_dim3A_33 = vector.broadcast %broadcast_in_dim3A : f32 to vector<16xf32>
      %swap3A = arith.index_cast %scan3A_31 : i32 to index
      %swap3A_34 = arith.constant 0 : index
      %swap3A_35 = tpu.vector_load %arg5[%swap3A, %swap3A_34] {strides = array<i32>} : memref<128x16xf32, #tpu.memory_space<vmem>>, vector<1x16xf32>,
      %swap3A_36 = vector.shape_cast %swap3A_35 : vector<1x16xf32> to vector<16xf32>
      %swap3A_37 = vector.shape_cast %broadcast_in_dim3A_33 : vector<16xf32> to vector<1x16xf32>
      tpu.vector_store %arg5[%swap3A, %swap3A_34], %swap3A_37 {strides = array<i32>} : memref<128x16xf32, #tpu.memory_space<vmem>>, vector<1x16xf32>,
      %scan3A_38 = arith.constant 0 : i32
      scf.yield %scan3A_38 : i32
    }
    %scan3A_6 = arith.constant 128 : i32
    %scan3A_7 = arith.constant 0 : i32
    %scan3A_8 = arith.constant 0 : i32
    %scan3A_9 = arith.constant 5 : i32
    %scan3A_10 = arith.addi %scan3A_8, %scan3A_9 : i32
    %scan3A_11 = arith.constant 1 : i32
    %scan3A_12 = scf.for %scan3A_31 = %scan3A_8 to %scan3A_10 step %scan3A_11 iter_args(%scan3A_32 = %scan3A_7) -> (i32)  : i32 {
      %mul3A_33 = arith.constant 5 : i32
      %mul3A_34 = arith.muli %arg1, %mul3A_33 : i32
      %add3A_35 = arith.addi %mul3A_34, %scan3A_31 : i32
      %mul3A_36 = arith.constant 128 : i32
      %mul3A_37 = arith.muli %add3A_35, %mul3A_36 : i32
      "tpu.region"() ({
        %run_scoped3A = tpu.sem_alloc : memref<!tpu.dma_semaphore, #tpu.memory_space<semaphore_mem>>
        %dma_start3A = arith.constant 0 : i32
        %dma_start3A_39 = tpu.memref_slice %arg6[%mul3A_37, %dma_start3A] : memref<10240x16xf32, #tpu.memory_space<vmem_shared>> -> memref<128x16xf32, #tpu.memory_space<vmem_shared>>
        %dma_start3A_40 = arith.constant 0 : i32
        %dma_start3A_41 = tpu.memref_slice %arg6[%mul3A_37, %dma_start3A_40] : memref<10240x16xf32, #tpu.memory_space<vmem_shared>> -> memref<128x16xf32, #tpu.memory_space<vmem_shared>>
        tpu.enqueue_dma source(%arg5 : memref<128x16xf32, #tpu.memory_space<vmem>>) target(%dma_start3A_41 : memref<128x16xf32, #tpu.memory_space<vmem_shared>>) target_semaphore(%run_scoped3A : memref<!tpu.dma_semaphore, #tpu.memory_space<semaphore_mem>>)
        %dma_wait3A = arith.constant 0 : i32
        %dma_wait3A_42 = tpu.memref_slice %arg6[%mul3A_37, %dma_wait3A] : memref<10240x16xf32, #tpu.memory_space<vmem_shared>> -> memref<128x16xf32, #tpu.memory_space<vmem_shared>>
        %dma_wait3A_43 = arith.constant 0 : i32
        %dma_wait3A_44 = tpu.memref_slice %arg6[%mul3A_37, %dma_wait3A_43] : memref<10240x16xf32, #tpu.memory_space<vmem_shared>> -> memref<128x16xf32, #tpu.memory_space<vmem_shared>>
        tpu.wait_dma2 semaphore(%run_scoped3A : memref<!tpu.dma_semaphore, #tpu.memory_space<semaphore_mem>>) src(%arg5 : memref<128x16xf32, #tpu.memory_space<vmem>>) dst(%dma_wait3A_44 : memref<128x16xf32, #tpu.memory_space<vmem_shared>>)
        tpu.yield
      }) : () -> ()
      %scan3A_38 = arith.constant 0 : i32
      scf.yield %scan3A_38 : i32
    }
    %scan3A_13 = arith.constant 5 : i32
    %scan3A_14 = arith.constant 0 : i32
    %scan3A_15 = arith.constant 0 : i32
    %scan3A_16 = arith.constant 128 : i32
    %scan3A_17 = arith.addi %scan3A_15, %scan3A_16 : i32
    %scan3A_18 = arith.constant 1 : i32
    %scan3A_19 = scf.for %scan3A_31 = %scan3A_15 to %scan3A_17 step %scan3A_18 iter_args(%scan3A_32 = %scan3A_14) -> (i32)  : i32 {
      %broadcast_in_dim3A = arith.constant 1.000000e+00 : f32
      %broadcast_in_dim3A_33 = vector.broadcast %broadcast_in_dim3A : f32 to vector<16xf32>
      %swap3A = arith.index_cast %scan3A_31 : i32 to index
      %swap3A_34 = arith.constant 0 : index
      %swap3A_35 = tpu.vector_load %arg5[%swap3A, %swap3A_34] {strides = array<i32>} : memref<128x16xf32, #tpu.memory_space<vmem>>, vector<1x16xf32>,
      %swap3A_36 = vector.shape_cast %swap3A_35 : vector<1x16xf32> to vector<16xf32>
      %swap3A_37 = vector.shape_cast %broadcast_in_dim3A_33 : vector<16xf32> to vector<1x16xf32>
      tpu.vector_store %arg5[%swap3A, %swap3A_34], %swap3A_37 {strides = array<i32>} : memref<128x16xf32, #tpu.memory_space<vmem>>, vector<1x16xf32>,
      %scan3A_38 = arith.constant 0 : i32
      scf.yield %scan3A_38 : i32
    }
    %scan3A_20 = arith.constant 128 : i32
    %barrier3A = arith.constant 0 : index
    tpu.barrier barrier_id(%barrier3A)
    "tpu.region"() ({
      %run_scoped3A = tpu.sem_alloc : memref<!tpu.dma_semaphore, #tpu.memory_space<semaphore_mem>>
      %dma_start3A = arith.constant 0 : i32
      %dma_start3A_31 = arith.constant 0 : i32
      %dma_start3A_32 = tpu.memref_slice %arg2[%add3A, %dma_start3A, %dma_start3A_31] : memref<32x79x128xi32, #tpu.memory_space<hbm>> -> memref<1x79x128xi32, #tpu.memory_space<hbm>>
      %dma_start3A_33 = tpu.memref_squeeze %dma_start3A_32 : memref<1x79x128xi32, #tpu.memory_space<hbm>> -> memref<79x128xi32, #tpu.memory_space<hbm>>
      %dma_start3A_34 = arith.constant 0 : i32
      %dma_start3A_35 = arith.constant 0 : i32
      %dma_start3A_36 = tpu.memref_slice %arg2[%add3A, %dma_start3A_34, %dma_start3A_35] : memref<32x79x128xi32, #tpu.memory_space<hbm>> -> memref<1x79x128xi32, #tpu.memory_space<hbm>>
      %dma_start3A_37 = tpu.memref_squeeze %dma_start3A_36 : memref<1x79x128xi32, #tpu.memory_space<hbm>> -> memref<79x128xi32, #tpu.memory_space<hbm>>
      tpu.enqueue_dma source(%dma_start3A_37 : memref<79x128xi32, #tpu.memory_space<hbm>>) target(%arg4 : memref<79x128xi32, #tpu.memory_space<vmem>>) target_semaphore(%run_scoped3A : memref<!tpu.dma_semaphore, #tpu.memory_space<semaphore_mem>>)
      %dma_wait3A = arith.constant 0 : i32
      %dma_wait3A_38 = arith.constant 0 : i32
      %dma_wait3A_39 = tpu.memref_slice %arg2[%add3A, %dma_wait3A, %dma_wait3A_38] : memref<32x79x128xi32, #tpu.memory_space<hbm>> -> memref<1x79x128xi32, #tpu.memory_space<hbm>>
      %dma_wait3A_40 = tpu.memref_squeeze %dma_wait3A_39 : memref<1x79x128xi32, #tpu.memory_space<hbm>> -> memref<79x128xi32, #tpu.memory_space<hbm>>
      %dma_wait3A_41 = arith.constant 0 : i32
      %dma_wait3A_42 = arith.constant 0 : i32
      %dma_wait3A_43 = tpu.memref_slice %arg2[%add3A, %dma_wait3A_41, %dma_wait3A_42] : memref<32x79x128xi32, #tpu.memory_space<hbm>> -> memref<1x79x128xi32, #tpu.memory_space<hbm>>
      %dma_wait3A_44 = tpu.memref_squeeze %dma_wait3A_43 : memref<1x79x128xi32, #tpu.memory_space<hbm>> -> memref<79x128xi32, #tpu.memory_space<hbm>>
      tpu.wait_dma2 semaphore(%run_scoped3A : memref<!tpu.dma_semaphore, #tpu.memory_space<semaphore_mem>>) src(%dma_wait3A_44 : memref<79x128xi32, #tpu.memory_space<hbm>>) dst(%arg4 : memref<79x128xi32, #tpu.memory_space<vmem>>)
      tpu.yield
    }) : () -> ()
    %scan3A_21 = arith.constant 0 : i32
    %scan3A_22 = arith.constant 0 : i32
    %scan3A_23 = arith.constant 79 : i32
    %scan3A_24 = arith.addi %scan3A_22, %scan3A_23 : i32
    %scan3A_25 = arith.constant 1 : i32
    %scan3A_26 = scf.for %scan3A_31 = %scan3A_22 to %scan3A_24 step %scan3A_25 iter_args(%scan3A_32 = %scan3A_21) -> (i32)  : i32 {
      "tpu.region"() ({
        %run_scoped3A = tpu.sem_alloc : memref<!tpu.dma_semaphore, #tpu.memory_space<semaphore_mem>>
        %dma_start3A = arith.constant 0 : i32
        %dma_start3A_34 = tpu.memref_slice %arg4[%scan3A_31, %dma_start3A] : memref<79x128xi32, #tpu.memory_space<vmem>> -> memref<1x128xi32, #tpu.memory_space<vmem>>
        %dma_start3A_35 = tpu.memref_squeeze %dma_start3A_34 : memref<1x128xi32, #tpu.memory_space<vmem>> -> memref<128xi32, #tpu.memory_space<vmem>>
        %dma_start3A_36 = arith.constant 0 : i32
        %dma_start3A_37 = arith.constant 0 : i32
        %dma_start3A_38 = tpu.memref_slice %arg6[%dma_start3A_36, %dma_start3A_37] : memref<10240x16xf32, #tpu.memory_space<vmem_shared>> -> memref<10240x16xf32, #tpu.memory_space<vmem_shared>>
        tpu.enqueue_indirect_dma source(%arg5 : memref<128x16xf32, #tpu.memory_space<vmem>>) target(%dma_start3A_38 : memref<10240x16xf32, #tpu.memory_space<vmem_shared>>) offsets(%dma_start3A_35 : memref<128xi32, #tpu.memory_space<vmem>>) semaphore(%run_scoped3A : memref<!tpu.dma_semaphore, #tpu.memory_space<semaphore_mem>>) {add = true}
        %dma_wait3A = arith.constant 0 : i32
        %dma_wait3A_39 = tpu.memref_slice %arg4[%scan3A_31, %dma_wait3A] : memref<79x128xi32, #tpu.memory_space<vmem>> -> memref<1x128xi32, #tpu.memory_space<vmem>>
        %dma_wait3A_40 = tpu.memref_squeeze %dma_wait3A_39 : memref<1x128xi32, #tpu.memory_space<vmem>> -> memref<128xi32, #tpu.memory_space<vmem>>
        %dma_wait3A_41 = arith.constant 0 : i32
        %dma_wait3A_42 = arith.constant 0 : i32
        %dma_wait3A_43 = tpu.memref_slice %arg6[%dma_wait3A_41, %dma_wait3A_42] : memref<10240x16xf32, #tpu.memory_space<vmem_shared>> -> memref<10240x16xf32, #tpu.memory_space<vmem_shared>>
        tpu.wait_indirect_dma semaphore(%run_scoped3A : memref<!tpu.dma_semaphore, #tpu.memory_space<semaphore_mem>>) src(%arg5 : memref<128x16xf32, #tpu.memory_space<vmem>>) dst(%dma_wait3A_43 : memref<10240x16xf32, #tpu.memory_space<vmem_shared>>)
        tpu.yield
      }) : () -> ()
      %scan3A_33 = arith.constant 0 : i32
      scf.yield %scan3A_33 : i32
    }
    %scan3A_27 = arith.constant 79 : i32
    %barrier3A_28 = arith.constant 0 : index
    tpu.barrier barrier_id(%barrier3A_28)
    %eq3A = arith.constant 0 : i32
    %eq3A_29 = arith.cmpi eq, %arg1, %eq3A : i32
    %convert_element_type3A = arith.extui %eq3A_29 : i1 to i32
    %cond3A = arith.constant 0 : i32
    %cond3A_30 = arith.cmpi ne, %convert_element_type3A, %cond3A : i32
    scf.if %cond3A_30 {
      "tpu.region"() ({
        %run_scoped3A = tpu.sem_alloc : memref<!tpu.dma_semaphore, #tpu.memory_space<semaphore_mem>>
        %dma_start3A = arith.constant 0 : i32
        %dma_start3A_31 = arith.constant 0 : i32
        %dma_start3A_32 = tpu.memref_slice %arg3[%arg0, %dma_start3A, %dma_start3A_31] : memref<2x10000x16xf32, #tpu.memory_space<hbm>> -> memref<1x10000x16xf32, #tpu.memory_space<hbm>>
        %dma_start3A_33 = tpu.memref_squeeze %dma_start3A_32 : memref<1x10000x16xf32, #tpu.memory_space<hbm>> -> memref<10000x16xf32, #tpu.memory_space<hbm>>
        %dma_start3A_34 = arith.constant 0 : i32
        %dma_start3A_35 = arith.constant 0 : i32
        %dma_start3A_36 = tpu.memref_slice %arg6[%dma_start3A_34, %dma_start3A_35] : memref<10240x16xf32, #tpu.memory_space<vmem_shared>> -> memref<10000x16xf32, #tpu.memory_space<vmem_shared>>
        tpu.enqueue_dma source(%dma_start3A_36 : memref<10000x16xf32, #tpu.memory_space<vmem_shared>>) target(%dma_start3A_33 : memref<10000x16xf32, #tpu.memory_space<hbm>>) target_semaphore(%run_scoped3A : memref<!tpu.dma_semaphore, #tpu.memory_space<semaphore_mem>>)
        %dma_wait3A = arith.constant 0 : i32
        %dma_wait3A_37 = arith.constant 0 : i32
        %dma_wait3A_38 = tpu.memref_slice %arg3[%arg0, %dma_wait3A, %dma_wait3A_37] : memref<2x10000x16xf32, #tpu.memory_space<hbm>> -> memref<1x10000x16xf32, #tpu.memory_space<hbm>>
        %dma_wait3A_39 = tpu.memref_squeeze %dma_wait3A_38 : memref<1x10000x16xf32, #tpu.memory_space<hbm>> -> memref<10000x16xf32, #tpu.memory_space<hbm>>
        %dma_wait3A_40 = arith.constant 0 : i32
        %dma_wait3A_41 = arith.constant 0 : i32
        %dma_wait3A_42 = tpu.memref_slice %arg6[%dma_wait3A_40, %dma_wait3A_41] : memref<10240x16xf32, #tpu.memory_space<vmem_shared>> -> memref<10000x16xf32, #tpu.memory_space<vmem_shared>>
        tpu.wait_dma2 semaphore(%run_scoped3A : memref<!tpu.dma_semaphore, #tpu.memory_space<semaphore_mem>>) src(%dma_wait3A_42 : memref<10000x16xf32, #tpu.memory_space<vmem_shared>>) dst(%dma_wait3A_39 : memref<10000x16xf32, #tpu.memory_space<hbm>>)
        tpu.yield
      }) : () -> ()
    } else {
    }
    return
  }
}

#map = affine_map<(d0, d1) -> (0, 0)>
#map1 = affine_map<(d0, d1) -> (0, 0, 0)>
module attributes {stable_mosaic.version = 14 : i64} {
  func.func @body(%arg0: i32, %arg1: i32, %arg2: memref<10000x128xf32, #tpu.memory_space<hbm>>, %arg3: memref<32x79x128xi32, #tpu.memory_space<hbm>>, %arg4: memref<32x79x128xi32, #tpu.memory_space<hbm>>, %arg5: memref<2x10000x128xf32, #tpu.memory_space<hbm>>, %arg6: memref<79x128xi32, #tpu.memory_space<vmem>>, %arg7: memref<79x128xi32, #tpu.memory_space<vmem>>, %arg8: memref<128x128xf32, #tpu.memory_space<vmem>>, %arg9: memref<10240x128xf32, #tpu.memory_space<vmem_shared>>, %arg10: memref<!tpu.dma_semaphore, #tpu.memory_space<semaphore_mem>>) attributes {dimension_semantics = [#tpu.dimension_semantics<core_parallel>, #tpu.dimension_semantics<subcore_parallel>], iteration_bounds = array<i64: 2, 16>, scalar_prefetch = 0 : i64, scratch_operands = 5 : i64, tpu.core_type = #tpu.core_type<sc_vector_subcore>, window_params = [{transform_indices = #map}, {transform_indices = #map1}, {transform_indices = #map1}, {transform_indices = #map1}]} {
    %mul3A = arith.constant 2 : i32
    %mul3A_0 = arith.muli %arg1, %mul3A : i32
    %add3A = arith.addi %mul3A_0, %arg0 : i32
    %scan3A = arith.constant 0 : i32
    %scan3A_1 = arith.constant 0 : i32
    %scan3A_2 = arith.constant 128 : i32
    %scan3A_3 = arith.addi %scan3A_1, %scan3A_2 : i32
    %scan3A_4 = arith.constant 1 : i32
    %scan3A_5 = scf.for %scan3A_24 = %scan3A_1 to %scan3A_3 step %scan3A_4 iter_args(%scan3A_25 = %scan3A) -> (i32)  : i32 {
      %scan3A_26 = arith.constant 0 : i32
      %scan3A_27 = arith.constant 0 : i32
      %scan3A_28 = arith.constant 8 : i32
      %scan3A_29 = arith.addi %scan3A_27, %scan3A_28 : i32
      %scan3A_30 = arith.constant 1 : i32
      %scan3A_31 = scf.for %scan3A_33 = %scan3A_27 to %scan3A_29 step %scan3A_30 iter_args(%scan3A_34 = %scan3A_26) -> (i32)  : i32 {
        %broadcast_in_dim3A = arith.constant 0.000000e+00 : f32
        %broadcast_in_dim3A_35 = vector.broadcast %broadcast_in_dim3A : f32 to vector<16xf32>
        %mul3A_36 = arith.constant 16 : i32
        %mul3A_37 = arith.muli %scan3A_33, %mul3A_36 : i32
        %swap3A = arith.index_cast %scan3A_24 : i32 to index
        %swap3A_38 = arith.index_cast %mul3A_37 : i32 to index
        %swap3A_39 = tpu.vector_load %arg8[%swap3A, %swap3A_38] {strides = array<i32>} : memref<128x128xf32, #tpu.memory_space<vmem>>, vector<1x16xf32>,
        %swap3A_40 = vector.shape_cast %swap3A_39 : vector<1x16xf32> to vector<16xf32>
        %swap3A_41 = vector.shape_cast %broadcast_in_dim3A_35 : vector<16xf32> to vector<1x16xf32>
        tpu.vector_store %arg8[%swap3A, %swap3A_38], %swap3A_41 {strides = array<i32>} : memref<128x128xf32, #tpu.memory_space<vmem>>, vector<1x16xf32>,
        %scan3A_42 = arith.constant 0 : i32
        scf.yield %scan3A_42 : i32
      }
      %scan3A_32 = arith.constant 8 : i32
      scf.yield %scan3A_31 : i32
    }
    %scan3A_6 = arith.constant 128 : i32
    %scan3A_7 = arith.constant 0 : i32
    %scan3A_8 = arith.constant 0 : i32
    %scan3A_9 = arith.constant 5 : i32
    %scan3A_10 = arith.addi %scan3A_8, %scan3A_9 : i32
    %scan3A_11 = arith.constant 1 : i32
    %scan3A_12 = scf.for %scan3A_24 = %scan3A_8 to %scan3A_10 step %scan3A_11 iter_args(%scan3A_25 = %scan3A_7) -> (i32)  : i32 {
      %mul3A_26 = arith.constant 5 : i32
      %mul3A_27 = arith.muli %arg1, %mul3A_26 : i32
      %add3A_28 = arith.addi %mul3A_27, %scan3A_24 : i32
      %mul3A_29 = arith.constant 128 : i32
      %mul3A_30 = arith.muli %add3A_28, %mul3A_29 : i32
      "tpu.region"() ({
        %run_scoped3A = tpu.sem_alloc : memref<!tpu.dma_semaphore, #tpu.memory_space<semaphore_mem>>
        %dma_start3A = arith.constant 0 : i32
        %dma_start3A_32 = tpu.memref_slice %arg9[%mul3A_30, %dma_start3A] : memref<10240x128xf32, #tpu.memory_space<vmem_shared>> -> memref<128x128xf32, #tpu.memory_space<vmem_shared>>
        %dma_start3A_33 = arith.constant 0 : i32
        %dma_start3A_34 = tpu.memref_slice %arg9[%mul3A_30, %dma_start3A_33] : memref<10240x128xf32, #tpu.memory_space<vmem_shared>> -> memref<128x128xf32, #tpu.memory_space<vmem_shared>>
        tpu.enqueue_dma source(%arg8 : memref<128x128xf32, #tpu.memory_space<vmem>>) target(%dma_start3A_34 : memref<128x128xf32, #tpu.memory_space<vmem_shared>>) target_semaphore(%run_scoped3A : memref<!tpu.dma_semaphore, #tpu.memory_space<semaphore_mem>>)
        %dma_wait3A = arith.constant 0 : i32
        %dma_wait3A_35 = tpu.memref_slice %arg9[%mul3A_30, %dma_wait3A] : memref<10240x128xf32, #tpu.memory_space<vmem_shared>> -> memref<128x128xf32, #tpu.memory_space<vmem_shared>>
        %dma_wait3A_36 = arith.constant 0 : i32
        %dma_wait3A_37 = tpu.memref_slice %arg9[%mul3A_30, %dma_wait3A_36] : memref<10240x128xf32, #tpu.memory_space<vmem_shared>> -> memref<128x128xf32, #tpu.memory_space<vmem_shared>>
        tpu.wait_dma2 semaphore(%run_scoped3A : memref<!tpu.dma_semaphore, #tpu.memory_space<semaphore_mem>>) src(%arg8 : memref<128x128xf32, #tpu.memory_space<vmem>>) dst(%dma_wait3A_37 : memref<128x128xf32, #tpu.memory_space<vmem_shared>>)
        tpu.yield
      }) : () -> ()
      %scan3A_31 = arith.constant 0 : i32
      scf.yield %scan3A_31 : i32
    }
    %scan3A_13 = arith.constant 5 : i32
    %barrier3A = arith.constant 0 : index
    tpu.barrier barrier_id(%barrier3A)
    "tpu.region"() ({
      %run_scoped3A = tpu.sem_alloc : memref<!tpu.dma_semaphore, #tpu.memory_space<semaphore_mem>>
      %dma_start3A = arith.constant 0 : i32
      %dma_start3A_24 = arith.constant 0 : i32
      %dma_start3A_25 = tpu.memref_slice %arg3[%add3A, %dma_start3A, %dma_start3A_24] : memref<32x79x128xi32, #tpu.memory_space<hbm>> -> memref<1x79x128xi32, #tpu.memory_space<hbm>>
      %dma_start3A_26 = tpu.memref_squeeze %dma_start3A_25 : memref<1x79x128xi32, #tpu.memory_space<hbm>> -> memref<79x128xi32, #tpu.memory_space<hbm>>
      %dma_start3A_27 = arith.constant 0 : i32
      %dma_start3A_28 = arith.constant 0 : i32
      %dma_start3A_29 = tpu.memref_slice %arg3[%add3A, %dma_start3A_27, %dma_start3A_28] : memref<32x79x128xi32, #tpu.memory_space<hbm>> -> memref<1x79x128xi32, #tpu.memory_space<hbm>>
      %dma_start3A_30 = tpu.memref_squeeze %dma_start3A_29 : memref<1x79x128xi32, #tpu.memory_space<hbm>> -> memref<79x128xi32, #tpu.memory_space<hbm>>
      tpu.enqueue_dma source(%dma_start3A_30 : memref<79x128xi32, #tpu.memory_space<hbm>>) target(%arg6 : memref<79x128xi32, #tpu.memory_space<vmem>>) target_semaphore(%run_scoped3A : memref<!tpu.dma_semaphore, #tpu.memory_space<semaphore_mem>>)
      %dma_wait3A = arith.constant 0 : i32
      %dma_wait3A_31 = arith.constant 0 : i32
      %dma_wait3A_32 = tpu.memref_slice %arg3[%add3A, %dma_wait3A, %dma_wait3A_31] : memref<32x79x128xi32, #tpu.memory_space<hbm>> -> memref<1x79x128xi32, #tpu.memory_space<hbm>>
      %dma_wait3A_33 = tpu.memref_squeeze %dma_wait3A_32 : memref<1x79x128xi32, #tpu.memory_space<hbm>> -> memref<79x128xi32, #tpu.memory_space<hbm>>
      %dma_wait3A_34 = arith.constant 0 : i32
      %dma_wait3A_35 = arith.constant 0 : i32
      %dma_wait3A_36 = tpu.memref_slice %arg3[%add3A, %dma_wait3A_34, %dma_wait3A_35] : memref<32x79x128xi32, #tpu.memory_space<hbm>> -> memref<1x79x128xi32, #tpu.memory_space<hbm>>
      %dma_wait3A_37 = tpu.memref_squeeze %dma_wait3A_36 : memref<1x79x128xi32, #tpu.memory_space<hbm>> -> memref<79x128xi32, #tpu.memory_space<hbm>>
      tpu.wait_dma2 semaphore(%run_scoped3A : memref<!tpu.dma_semaphore, #tpu.memory_space<semaphore_mem>>) src(%dma_wait3A_37 : memref<79x128xi32, #tpu.memory_space<hbm>>) dst(%arg6 : memref<79x128xi32, #tpu.memory_space<vmem>>)
      tpu.yield
    }) : () -> ()
    "tpu.region"() ({
      %run_scoped3A = tpu.sem_alloc : memref<!tpu.dma_semaphore, #tpu.memory_space<semaphore_mem>>
      %dma_start3A = arith.constant 0 : i32
      %dma_start3A_24 = arith.constant 0 : i32
      %dma_start3A_25 = tpu.memref_slice %arg4[%add3A, %dma_start3A, %dma_start3A_24] : memref<32x79x128xi32, #tpu.memory_space<hbm>> -> memref<1x79x128xi32, #tpu.memory_space<hbm>>
      %dma_start3A_26 = tpu.memref_squeeze %dma_start3A_25 : memref<1x79x128xi32, #tpu.memory_space<hbm>> -> memref<79x128xi32, #tpu.memory_space<hbm>>
      %dma_start3A_27 = arith.constant 0 : i32
      %dma_start3A_28 = arith.constant 0 : i32
      %dma_start3A_29 = tpu.memref_slice %arg4[%add3A, %dma_start3A_27, %dma_start3A_28] : memref<32x79x128xi32, #tpu.memory_space<hbm>> -> memref<1x79x128xi32, #tpu.memory_space<hbm>>
      %dma_start3A_30 = tpu.memref_squeeze %dma_start3A_29 : memref<1x79x128xi32, #tpu.memory_space<hbm>> -> memref<79x128xi32, #tpu.memory_space<hbm>>
      tpu.enqueue_dma source(%dma_start3A_30 : memref<79x128xi32, #tpu.memory_space<hbm>>) target(%arg7 : memref<79x128xi32, #tpu.memory_space<vmem>>) target_semaphore(%run_scoped3A : memref<!tpu.dma_semaphore, #tpu.memory_space<semaphore_mem>>)
      %dma_wait3A = arith.constant 0 : i32
      %dma_wait3A_31 = arith.constant 0 : i32
      %dma_wait3A_32 = tpu.memref_slice %arg4[%add3A, %dma_wait3A, %dma_wait3A_31] : memref<32x79x128xi32, #tpu.memory_space<hbm>> -> memref<1x79x128xi32, #tpu.memory_space<hbm>>
      %dma_wait3A_33 = tpu.memref_squeeze %dma_wait3A_32 : memref<1x79x128xi32, #tpu.memory_space<hbm>> -> memref<79x128xi32, #tpu.memory_space<hbm>>
      %dma_wait3A_34 = arith.constant 0 : i32
      %dma_wait3A_35 = arith.constant 0 : i32
      %dma_wait3A_36 = tpu.memref_slice %arg4[%add3A, %dma_wait3A_34, %dma_wait3A_35] : memref<32x79x128xi32, #tpu.memory_space<hbm>> -> memref<1x79x128xi32, #tpu.memory_space<hbm>>
      %dma_wait3A_37 = tpu.memref_squeeze %dma_wait3A_36 : memref<1x79x128xi32, #tpu.memory_space<hbm>> -> memref<79x128xi32, #tpu.memory_space<hbm>>
      tpu.wait_dma2 semaphore(%run_scoped3A : memref<!tpu.dma_semaphore, #tpu.memory_space<semaphore_mem>>) src(%dma_wait3A_37 : memref<79x128xi32, #tpu.memory_space<hbm>>) dst(%arg7 : memref<79x128xi32, #tpu.memory_space<vmem>>)
      tpu.yield
    }) : () -> ()
    %scan3A_14 = arith.constant 0 : i32
    %scan3A_15 = arith.constant 0 : i32
    %scan3A_16 = arith.constant 79 : i32
    %scan3A_17 = arith.addi %scan3A_15, %scan3A_16 : i32
    %scan3A_18 = arith.constant 1 : i32
    %scan3A_19 = scf.for %scan3A_24 = %scan3A_15 to %scan3A_17 step %scan3A_18 iter_args(%scan3A_25 = %scan3A_14) -> (i32)  : i32 {
      %dma_start3A = arith.constant 0 : i32
      %dma_start3A_26 = tpu.memref_slice %arg6[%scan3A_24, %dma_start3A] : memref<79x128xi32, #tpu.memory_space<vmem>> -> memref<1x128xi32, #tpu.memory_space<vmem>>
      %dma_start3A_27 = tpu.memref_squeeze %dma_start3A_26 : memref<1x128xi32, #tpu.memory_space<vmem>> -> memref<128xi32, #tpu.memory_space<vmem>>
      %dma_start3A_28 = arith.constant 0 : i32
      %dma_start3A_29 = arith.constant 0 : i32
      %dma_start3A_30 = tpu.memref_slice %arg2[%dma_start3A_28, %dma_start3A_29] : memref<10000x128xf32, #tpu.memory_space<hbm>> -> memref<10000x128xf32, #tpu.memory_space<hbm>>
      tpu.enqueue_indirect_dma source(%dma_start3A_30 : memref<10000x128xf32, #tpu.memory_space<hbm>>) target(%arg8 : memref<128x128xf32, #tpu.memory_space<vmem>>) offsets(%dma_start3A_27 : memref<128xi32, #tpu.memory_space<vmem>>) semaphore(%arg10 : memref<!tpu.dma_semaphore, #tpu.memory_space<semaphore_mem>>)
      %dma_wait3A = arith.constant 0 : i32
      %dma_wait3A_31 = tpu.memref_slice %arg6[%scan3A_24, %dma_wait3A] : memref<79x128xi32, #tpu.memory_space<vmem>> -> memref<1x128xi32, #tpu.memory_space<vmem>>
      %dma_wait3A_32 = tpu.memref_squeeze %dma_wait3A_31 : memref<1x128xi32, #tpu.memory_space<vmem>> -> memref<128xi32, #tpu.memory_space<vmem>>
      %dma_wait3A_33 = arith.constant 0 : i32
      %dma_wait3A_34 = arith.constant 0 : i32
      %dma_wait3A_35 = tpu.memref_slice %arg2[%dma_wait3A_33, %dma_wait3A_34] : memref<10000x128xf32, #tpu.memory_space<hbm>> -> memref<10000x128xf32, #tpu.memory_space<hbm>>
      tpu.wait_indirect_dma semaphore(%arg10 : memref<!tpu.dma_semaphore, #tpu.memory_space<semaphore_mem>>) src(%dma_wait3A_35 : memref<10000x128xf32, #tpu.memory_space<hbm>>) dst(%arg8 : memref<128x128xf32, #tpu.memory_space<vmem>>)
      "tpu.region"() ({
        %run_scoped3A = tpu.sem_alloc : memref<!tpu.dma_semaphore, #tpu.memory_space<semaphore_mem>>
        %dma_start3A_37 = arith.constant 0 : i32
        %dma_start3A_38 = tpu.memref_slice %arg7[%scan3A_24, %dma_start3A_37] : memref<79x128xi32, #tpu.memory_space<vmem>> -> memref<1x128xi32, #tpu.memory_space<vmem>>
        %dma_start3A_39 = tpu.memref_squeeze %dma_start3A_38 : memref<1x128xi32, #tpu.memory_space<vmem>> -> memref<128xi32, #tpu.memory_space<vmem>>
        %dma_start3A_40 = arith.constant 0 : i32
        %dma_start3A_41 = arith.constant 0 : i32
        %dma_start3A_42 = tpu.memref_slice %arg9[%dma_start3A_40, %dma_start3A_41] : memref<10240x128xf32, #tpu.memory_space<vmem_shared>> -> memref<10240x128xf32, #tpu.memory_space<vmem_shared>>
        tpu.enqueue_indirect_dma source(%arg8 : memref<128x128xf32, #tpu.memory_space<vmem>>) target(%dma_start3A_42 : memref<10240x128xf32, #tpu.memory_space<vmem_shared>>) offsets(%dma_start3A_39 : memref<128xi32, #tpu.memory_space<vmem>>) semaphore(%run_scoped3A : memref<!tpu.dma_semaphore, #tpu.memory_space<semaphore_mem>>) {add = true}
        %dma_wait3A_43 = arith.constant 0 : i32
        %dma_wait3A_44 = tpu.memref_slice %arg7[%scan3A_24, %dma_wait3A_43] : memref<79x128xi32, #tpu.memory_space<vmem>> -> memref<1x128xi32, #tpu.memory_space<vmem>>
        %dma_wait3A_45 = tpu.memref_squeeze %dma_wait3A_44 : memref<1x128xi32, #tpu.memory_space<vmem>> -> memref<128xi32, #tpu.memory_space<vmem>>
        %dma_wait3A_46 = arith.constant 0 : i32
        %dma_wait3A_47 = arith.constant 0 : i32
        %dma_wait3A_48 = tpu.memref_slice %arg9[%dma_wait3A_46, %dma_wait3A_47] : memref<10240x128xf32, #tpu.memory_space<vmem_shared>> -> memref<10240x128xf32, #tpu.memory_space<vmem_shared>>
        tpu.wait_indirect_dma semaphore(%run_scoped3A : memref<!tpu.dma_semaphore, #tpu.memory_space<semaphore_mem>>) src(%arg8 : memref<128x128xf32, #tpu.memory_space<vmem>>) dst(%dma_wait3A_48 : memref<10240x128xf32, #tpu.memory_space<vmem_shared>>)
        tpu.yield
      }) : () -> ()
      %scan3A_36 = arith.constant 0 : i32
      scf.yield %scan3A_36 : i32
    }
    %scan3A_20 = arith.constant 79 : i32
    %barrier3A_21 = arith.constant 0 : index
    tpu.barrier barrier_id(%barrier3A_21)
    %eq3A = arith.constant 0 : i32
    %eq3A_22 = arith.cmpi eq, %arg1, %eq3A : i32
    %convert_element_type3A = arith.extui %eq3A_22 : i1 to i32
    %cond3A = arith.constant 0 : i32
    %cond3A_23 = arith.cmpi ne, %convert_element_type3A, %cond3A : i32
    scf.if %cond3A_23 {
      "tpu.region"() ({
        %run_scoped3A = tpu.sem_alloc : memref<!tpu.dma_semaphore, #tpu.memory_space<semaphore_mem>>
        %dma_start3A = arith.constant 0 : i32
        %dma_start3A_24 = arith.constant 0 : i32
        %dma_start3A_25 = tpu.memref_slice %arg5[%arg0, %dma_start3A, %dma_start3A_24] : memref<2x10000x128xf32, #tpu.memory_space<hbm>> -> memref<1x10000x128xf32, #tpu.memory_space<hbm>>
        %dma_start3A_26 = tpu.memref_squeeze %dma_start3A_25 : memref<1x10000x128xf32, #tpu.memory_space<hbm>> -> memref<10000x128xf32, #tpu.memory_space<hbm>>
        %dma_start3A_27 = arith.constant 0 : i32
        %dma_start3A_28 = arith.constant 0 : i32
        %dma_start3A_29 = tpu.memref_slice %arg9[%dma_start3A_27, %dma_start3A_28] : memref<10240x128xf32, #tpu.memory_space<vmem_shared>> -> memref<10000x128xf32, #tpu.memory_space<vmem_shared>>
        tpu.enqueue_dma source(%dma_start3A_29 : memref<10000x128xf32, #tpu.memory_space<vmem_shared>>) target(%dma_start3A_26 : memref<10000x128xf32, #tpu.memory_space<hbm>>) target_semaphore(%run_scoped3A : memref<!tpu.dma_semaphore, #tpu.memory_space<semaphore_mem>>)
        %dma_wait3A = arith.constant 0 : i32
        %dma_wait3A_30 = arith.constant 0 : i32
        %dma_wait3A_31 = tpu.memref_slice %arg5[%arg0, %dma_wait3A, %dma_wait3A_30] : memref<2x10000x128xf32, #tpu.memory_space<hbm>> -> memref<1x10000x128xf32, #tpu.memory_space<hbm>>
        %dma_wait3A_32 = tpu.memref_squeeze %dma_wait3A_31 : memref<1x10000x128xf32, #tpu.memory_space<hbm>> -> memref<10000x128xf32, #tpu.memory_space<hbm>>
        %dma_wait3A_33 = arith.constant 0 : i32
        %dma_wait3A_34 = arith.constant 0 : i32
        %dma_wait3A_35 = tpu.memref_slice %arg9[%dma_wait3A_33, %dma_wait3A_34] : memref<10240x128xf32, #tpu.memory_space<vmem_shared>> -> memref<10000x128xf32, #tpu.memory_space<vmem_shared>>
        tpu.wait_dma2 semaphore(%run_scoped3A : memref<!tpu.dma_semaphore, #tpu.memory_space<semaphore_mem>>) src(%dma_wait3A_35 : memref<10000x128xf32, #tpu.memory_space<vmem_shared>>) dst(%dma_wait3A_32 : memref<10000x128xf32, #tpu.memory_space<hbm>>)
        tpu.yield
      }) : () -> ()
    } else {
    }
    return
  }
}

module attributes {stable_mosaic.version = 14 : i64} {
  func.func @body(%arg0: i32, %arg1: memref<2000x128xf32, #tpu.memory_space<vmem>>, %arg2: memref<128x128xf32, #tpu.memory_space<vmem>>, %arg3: memref<2x2000x16xf32, #tpu.memory_space<vmem>>, %arg4: memref<2000x128xf32, #tpu.memory_space<vmem>>) attributes {dimension_semantics = [#tpu.dimension_semantics<arbitrary>], iteration_bounds = array<i64: 5>, scalar_prefetch = 0 : i64, scratch_operands = 0 : i64, tpu.core_type = #tpu.core_type<tc>, window_params = [{transform_indices = @transform_0, window_bounds = array<i64: 2000, 128>}, {pipeline_mode = #tpu.pipeline_mode<synchronous>, transform_indices = @transform_1, window_bounds = array<i64: 128, 128>}, {transform_indices = @transform_2, window_bounds = array<i64: 2, 2000, 16>}, {transform_indices = @transform_3, window_bounds = array<i64: 2000, 128>}]} {
    %get3A = arith.constant 0 : index
    %get3A_0 = arith.constant 0 : index
    %get3A_1 = arith.constant 0 : index
    %get3A_2 = vector.load %arg3[%get3A, %get3A_0, %get3A_1] : memref<2x2000x16xf32, #tpu.memory_space<vmem>>, vector<1x2000x1xf32>
    %get3A_3 = vector.shape_cast %get3A_2 : vector<1x2000x1xf32> to vector<2000x1xf32>
    %get3A_4 = arith.constant 1 : index
    %get3A_5 = arith.constant 0 : index
    %get3A_6 = arith.constant 0 : index
    %get3A_7 = vector.load %arg3[%get3A_4, %get3A_5, %get3A_6] : memref<2x2000x16xf32, #tpu.memory_space<vmem>>, vector<1x2000x1xf32>
    %get3A_8 = vector.shape_cast %get3A_7 : vector<1x2000x1xf32> to vector<2000x1xf32>
    %add3A = arith.addf %get3A_3, %get3A_8 : vector<2000x1xf32>
    %add3A_9 = arith.constant 1.000000e+00 : f32
    %add3A_10 = vector.broadcast %add3A_9 : f32 to vector<2000x1xf32>
    %add3A_11 = arith.addf %add3A, %add3A_10 : vector<2000x1xf32>
    %rsqrt3A = math.rsqrt %add3A_11 : vector<2000x1xf32>
    %get3A_12 = arith.constant 0 : index
    %get3A_13 = arith.constant 0 : index
    %get3A_14 = vector.load %arg1[%get3A_12, %get3A_13] : memref<2000x128xf32, #tpu.memory_space<vmem>>, vector<2000x128xf32>
    %get3A_15 = arith.constant 0 : index
    %get3A_16 = arith.constant 0 : index
    %get3A_17 = vector.load %arg2[%get3A_15, %get3A_16] : memref<128x128xf32, #tpu.memory_space<vmem>>, vector<128x128xf32>
    %dot_general3A = arith.constant dense<0.000000e+00> : vector<2000x128xf32>
    %dot_general3A_18 = tpu.matmul %get3A_14, %get3A_17, %dot_general3A {dimension_numbers = #tpu.dot_dimension_numbers<[1], [0], [0], [1], [0, 0, 1, 1], [], []>, transpose_lhs_hint = false} : vector<2000x128xf32>, vector<128x128xf32>, vector<2000x128xf32> -> vector<2000x128xf32>
    %mul3A = vector.broadcast %rsqrt3A : vector<2000x1xf32> to vector<2000x128xf32>
    %mul3A_19 = arith.mulf %dot_general3A_18, %mul3A : vector<2000x128xf32>
    %swap3A = arith.constant 0 : index
    %swap3A_20 = arith.constant 0 : index
    %swap3A_21 = vector.load %arg4[%swap3A, %swap3A_20] : memref<2000x128xf32, #tpu.memory_space<vmem>>, vector<2000x128xf32>
    tpu.vector_store %arg4[%swap3A, %swap3A_20], %mul3A_19 {strides = array<i32>} : memref<2000x128xf32, #tpu.memory_space<vmem>>, vector<2000x128xf32>,
    return
  }
  func.func @transform_0(%arg0: i32) -> (i32, i32) {
    %c0_i32 = arith.constant 0 : i32
    %c0_i32_0 = arith.constant 0 : i32
    return %arg0, %c0_i32 : i32, i32
  }
  func.func @transform_1(%arg0: i32) -> (i32, i32) {
    %c0_i32 = arith.constant 0 : i32
    %c0_i32_0 = arith.constant 0 : i32
    %c0_i32_1 = arith.constant 0 : i32
    return %c0_i32, %c0_i32_0 : i32, i32
  }
  func.func @transform_2(%arg0: i32) -> (i32, i32, i32) {
    %c0_i32 = arith.constant 0 : i32
    %c0_i32_0 = arith.constant 0 : i32
    %c0_i32_1 = arith.constant 0 : i32
    return %c0_i32, %arg0, %c0_i32_0 : i32, i32, i32
  }
  func.func @transform_3(%arg0: i32) -> (i32, i32) {
    %c0_i32 = arith.constant 0 : i32
    %c0_i32_0 = arith.constant 0 : i32
    return %arg0, %c0_i32 : i32, i32
  }
}

module attributes {stable_mosaic.version = 14 : i64} {
  func.func @body(%arg0: i32, %arg1: memref<2x2000x128xf32, #tpu.memory_space<vmem>>, %arg2: memref<2000x128xf32, #tpu.memory_space<vmem>>, %arg3: memref<2x2000x16xf32, #tpu.memory_space<vmem>>, %arg4: memref<1x128xf32, #tpu.memory_space<vmem>>, %arg5: memref<128x128xf32, #tpu.memory_space<vmem>>, %arg6: memref<2000x128xf32, #tpu.memory_space<vmem>>) attributes {dimension_semantics = [#tpu.dimension_semantics<arbitrary>], iteration_bounds = array<i64: 5>, scalar_prefetch = 0 : i64, scratch_operands = 0 : i64, tpu.core_type = #tpu.core_type<tc>, window_params = [{transform_indices = @transform_0, window_bounds = array<i64: 2, 2000, 128>}, {transform_indices = @transform_1, window_bounds = array<i64: 2000, 128>}, {transform_indices = @transform_2, window_bounds = array<i64: 2, 2000, 16>}, {pipeline_mode = #tpu.pipeline_mode<synchronous>, transform_indices = @transform_3, window_bounds = array<i64: 1, 128>}, {pipeline_mode = #tpu.pipeline_mode<synchronous>, transform_indices = @transform_4, window_bounds = array<i64: 128, 128>}, {transform_indices = @transform_5, window_bounds = array<i64: 2000, 128>}]} {
    %get3A = arith.constant 0 : index
    %get3A_0 = arith.constant 0 : index
    %get3A_1 = arith.constant 0 : index
    %get3A_2 = vector.load %arg3[%get3A, %get3A_0, %get3A_1] : memref<2x2000x16xf32, #tpu.memory_space<vmem>>, vector<1x2000x1xf32>
    %get3A_3 = vector.shape_cast %get3A_2 : vector<1x2000x1xf32> to vector<2000x1xf32>
    %get3A_4 = arith.constant 1 : index
    %get3A_5 = arith.constant 0 : index
    %get3A_6 = arith.constant 0 : index
    %get3A_7 = vector.load %arg3[%get3A_4, %get3A_5, %get3A_6] : memref<2x2000x16xf32, #tpu.memory_space<vmem>>, vector<1x2000x1xf32>
    %get3A_8 = vector.shape_cast %get3A_7 : vector<1x2000x1xf32> to vector<2000x1xf32>
    %add3A = arith.addf %get3A_3, %get3A_8 : vector<2000x1xf32>
    %add3A_9 = arith.constant 1.000000e+00 : f32
    %add3A_10 = vector.broadcast %add3A_9 : f32 to vector<2000x1xf32>
    %add3A_11 = arith.addf %add3A, %add3A_10 : vector<2000x1xf32>
    %rsqrt3A = math.rsqrt %add3A_11 : vector<2000x1xf32>
    %get3A_12 = arith.constant 0 : index
    %get3A_13 = arith.constant 0 : index
    %get3A_14 = arith.constant 0 : index
    %get3A_15 = vector.load %arg1[%get3A_12, %get3A_13, %get3A_14] : memref<2x2000x128xf32, #tpu.memory_space<vmem>>, vector<1x2000x128xf32>
    %get3A_16 = vector.shape_cast %get3A_15 : vector<1x2000x128xf32> to vector<2000x128xf32>
    %get3A_17 = arith.constant 1 : index
    %get3A_18 = arith.constant 0 : index
    %get3A_19 = arith.constant 0 : index
    %get3A_20 = vector.load %arg1[%get3A_17, %get3A_18, %get3A_19] : memref<2x2000x128xf32, #tpu.memory_space<vmem>>, vector<1x2000x128xf32>
    %get3A_21 = vector.shape_cast %get3A_20 : vector<1x2000x128xf32> to vector<2000x128xf32>
    %add3A_22 = arith.addf %get3A_16, %get3A_21 : vector<2000x128xf32>
    %get3A_23 = arith.constant 0 : index
    %get3A_24 = arith.constant 0 : index
    %get3A_25 = vector.load %arg2[%get3A_23, %get3A_24] : memref<2000x128xf32, #tpu.memory_space<vmem>>, vector<2000x128xf32>
    %add3A_26 = arith.addf %add3A_22, %get3A_25 : vector<2000x128xf32>
    %mul3A = vector.broadcast %rsqrt3A : vector<2000x1xf32> to vector<2000x128xf32>
    %mul3A_27 = arith.mulf %add3A_26, %mul3A : vector<2000x128xf32>
    %get3A_28 = arith.constant 0 : index
    %get3A_29 = arith.constant 0 : index
    %get3A_30 = vector.load %arg4[%get3A_28, %get3A_29] : memref<1x128xf32, #tpu.memory_space<vmem>>, vector<1x128xf32>
    %add3A_31 = vector.broadcast %get3A_30 : vector<1x128xf32> to vector<2000x128xf32>
    %add3A_32 = arith.addf %mul3A_27, %add3A_31 : vector<2000x128xf32>
    %max3A = arith.constant 0.000000e+00 : f32
    %max3A_33 = vector.broadcast %max3A : f32 to vector<2000x128xf32>
    %max3A_34 = arith.maximumf %add3A_32, %max3A_33 : vector<2000x128xf32>
    %get3A_35 = arith.constant 0 : index
    %get3A_36 = arith.constant 0 : index
    %get3A_37 = vector.load %arg5[%get3A_35, %get3A_36] : memref<128x128xf32, #tpu.memory_space<vmem>>, vector<128x128xf32>
    %dot_general3A = arith.constant dense<0.000000e+00> : vector<2000x128xf32>
    %dot_general3A_38 = tpu.matmul %max3A_34, %get3A_37, %dot_general3A {dimension_numbers = #tpu.dot_dimension_numbers<[1], [0], [0], [1], [0, 0, 1, 1], [], []>, transpose_lhs_hint = false} : vector<2000x128xf32>, vector<128x128xf32>, vector<2000x128xf32> -> vector<2000x128xf32>
    %mul3A_39 = vector.broadcast %rsqrt3A : vector<2000x1xf32> to vector<2000x128xf32>
    %mul3A_40 = arith.mulf %dot_general3A_38, %mul3A_39 : vector<2000x128xf32>
    %swap3A = arith.constant 0 : index
    %swap3A_41 = arith.constant 0 : index
    %swap3A_42 = vector.load %arg6[%swap3A, %swap3A_41] : memref<2000x128xf32, #tpu.memory_space<vmem>>, vector<2000x128xf32>
    tpu.vector_store %arg6[%swap3A, %swap3A_41], %mul3A_40 {strides = array<i32>} : memref<2000x128xf32, #tpu.memory_space<vmem>>, vector<2000x128xf32>,
    return
  }
  func.func @transform_0(%arg0: i32) -> (i32, i32, i32) {
    %c0_i32 = arith.constant 0 : i32
    %c0_i32_0 = arith.constant 0 : i32
    %c0_i32_1 = arith.constant 0 : i32
    return %c0_i32, %arg0, %c0_i32_0 : i32, i32, i32
  }
  func.func @transform_1(%arg0: i32) -> (i32, i32) {
    %c0_i32 = arith.constant 0 : i32
    %c0_i32_0 = arith.constant 0 : i32
    return %arg0, %c0_i32 : i32, i32
  }
  func.func @transform_2(%arg0: i32) -> (i32, i32, i32) {
    %c0_i32 = arith.constant 0 : i32
    %c0_i32_0 = arith.constant 0 : i32
    %c0_i32_1 = arith.constant 0 : i32
    return %c0_i32, %arg0, %c0_i32_0 : i32, i32, i32
  }
  func.func @transform_3(%arg0: i32) -> (i32, i32) {
    %c0_i32 = arith.constant 0 : i32
    %c0_i32_0 = arith.constant 0 : i32
    %c0_i32_1 = arith.constant 0 : i32
    return %c0_i32, %c0_i32_0 : i32, i32
  }
  func.func @transform_4(%arg0: i32) -> (i32, i32) {
    %c0_i32 = arith.constant 0 : i32
    %c0_i32_0 = arith.constant 0 : i32
    %c0_i32_1 = arith.constant 0 : i32
    return %c0_i32, %c0_i32_0 : i32, i32
  }
  func.func @transform_5(%arg0: i32) -> (i32, i32) {
    %c0_i32 = arith.constant 0 : i32
    %c0_i32_0 = arith.constant 0 : i32
    return %arg0, %c0_i32 : i32, i32
  }
}

module attributes {stable_mosaic.version = 14 : i64} {
  func.func @body(%arg0: i32, %arg1: memref<2x2000x128xf32, #tpu.memory_space<vmem>>, %arg2: memref<2000x128xf32, #tpu.memory_space<vmem>>, %arg3: memref<2x2000x16xf32, #tpu.memory_space<vmem>>, %arg4: memref<1x128xf32, #tpu.memory_space<vmem>>, %arg5: memref<2000x128xf32, #tpu.memory_space<vmem>>) attributes {dimension_semantics = [#tpu.dimension_semantics<arbitrary>], iteration_bounds = array<i64: 5>, scalar_prefetch = 0 : i64, scratch_operands = 0 : i64, tpu.core_type = #tpu.core_type<tc>, window_params = [{transform_indices = @transform_0, window_bounds = array<i64: 2, 2000, 128>}, {transform_indices = @transform_1, window_bounds = array<i64: 2000, 128>}, {transform_indices = @transform_2, window_bounds = array<i64: 2, 2000, 16>}, {pipeline_mode = #tpu.pipeline_mode<synchronous>, transform_indices = @transform_3, window_bounds = array<i64: 1, 128>}, {transform_indices = @transform_4, window_bounds = array<i64: 2000, 128>}]} {
    %get3A = arith.constant 0 : index
    %get3A_0 = arith.constant 0 : index
    %get3A_1 = arith.constant 0 : index
    %get3A_2 = vector.load %arg3[%get3A, %get3A_0, %get3A_1] : memref<2x2000x16xf32, #tpu.memory_space<vmem>>, vector<1x2000x1xf32>
    %get3A_3 = vector.shape_cast %get3A_2 : vector<1x2000x1xf32> to vector<2000x1xf32>
    %get3A_4 = arith.constant 1 : index
    %get3A_5 = arith.constant 0 : index
    %get3A_6 = arith.constant 0 : index
    %get3A_7 = vector.load %arg3[%get3A_4, %get3A_5, %get3A_6] : memref<2x2000x16xf32, #tpu.memory_space<vmem>>, vector<1x2000x1xf32>
    %get3A_8 = vector.shape_cast %get3A_7 : vector<1x2000x1xf32> to vector<2000x1xf32>
    %add3A = arith.addf %get3A_3, %get3A_8 : vector<2000x1xf32>
    %add3A_9 = arith.constant 1.000000e+00 : f32
    %add3A_10 = vector.broadcast %add3A_9 : f32 to vector<2000x1xf32>
    %add3A_11 = arith.addf %add3A, %add3A_10 : vector<2000x1xf32>
    %rsqrt3A = math.rsqrt %add3A_11 : vector<2000x1xf32>
    %get3A_12 = arith.constant 0 : index
    %get3A_13 = arith.constant 0 : index
    %get3A_14 = arith.constant 0 : index
    %get3A_15 = vector.load %arg1[%get3A_12, %get3A_13, %get3A_14] : memref<2x2000x128xf32, #tpu.memory_space<vmem>>, vector<1x2000x128xf32>
    %get3A_16 = vector.shape_cast %get3A_15 : vector<1x2000x128xf32> to vector<2000x128xf32>
    %get3A_17 = arith.constant 1 : index
    %get3A_18 = arith.constant 0 : index
    %get3A_19 = arith.constant 0 : index
    %get3A_20 = vector.load %arg1[%get3A_17, %get3A_18, %get3A_19] : memref<2x2000x128xf32, #tpu.memory_space<vmem>>, vector<1x2000x128xf32>
    %get3A_21 = vector.shape_cast %get3A_20 : vector<1x2000x128xf32> to vector<2000x128xf32>
    %add3A_22 = arith.addf %get3A_16, %get3A_21 : vector<2000x128xf32>
    %get3A_23 = arith.constant 0 : index
    %get3A_24 = arith.constant 0 : index
    %get3A_25 = vector.load %arg2[%get3A_23, %get3A_24] : memref<2000x128xf32, #tpu.memory_space<vmem>>, vector<2000x128xf32>
    %add3A_26 = arith.addf %add3A_22, %get3A_25 : vector<2000x128xf32>
    %mul3A = vector.broadcast %rsqrt3A : vector<2000x1xf32> to vector<2000x128xf32>
    %mul3A_27 = arith.mulf %add3A_26, %mul3A : vector<2000x128xf32>
    %get3A_28 = arith.constant 0 : index
    %get3A_29 = arith.constant 0 : index
    %get3A_30 = vector.load %arg4[%get3A_28, %get3A_29] : memref<1x128xf32, #tpu.memory_space<vmem>>, vector<1x128xf32>
    %add3A_31 = vector.broadcast %get3A_30 : vector<1x128xf32> to vector<2000x128xf32>
    %add3A_32 = arith.addf %mul3A_27, %add3A_31 : vector<2000x128xf32>
    %swap3A = arith.constant 0 : index
    %swap3A_33 = arith.constant 0 : index
    %swap3A_34 = vector.load %arg5[%swap3A, %swap3A_33] : memref<2000x128xf32, #tpu.memory_space<vmem>>, vector<2000x128xf32>
    tpu.vector_store %arg5[%swap3A, %swap3A_33], %add3A_32 {strides = array<i32>} : memref<2000x128xf32, #tpu.memory_space<vmem>>, vector<2000x128xf32>,
    return
  }
  func.func @transform_0(%arg0: i32) -> (i32, i32, i32) {
    %c0_i32 = arith.constant 0 : i32
    %c0_i32_0 = arith.constant 0 : i32
    %c0_i32_1 = arith.constant 0 : i32
    return %c0_i32, %arg0, %c0_i32_0 : i32, i32, i32
  }
  func.func @transform_1(%arg0: i32) -> (i32, i32) {
    %c0_i32 = arith.constant 0 : i32
    %c0_i32_0 = arith.constant 0 : i32
    return %arg0, %c0_i32 : i32, i32
  }
  func.func @transform_2(%arg0: i32) -> (i32, i32, i32) {
    %c0_i32 = arith.constant 0 : i32
    %c0_i32_0 = arith.constant 0 : i32
    %c0_i32_1 = arith.constant 0 : i32
    return %c0_i32, %arg0, %c0_i32_0 : i32, i32, i32
  }
  func.func @transform_3(%arg0: i32) -> (i32, i32) {
    %c0_i32 = arith.constant 0 : i32
    %c0_i32_0 = arith.constant 0 : i32
    %c0_i32_1 = arith.constant 0 : i32
    return %c0_i32, %c0_i32_0 : i32, i32
  }
  func.func @transform_4(%arg0: i32) -> (i32, i32) {
    %c0_i32 = arith.constant 0 : i32
    %c0_i32_0 = arith.constant 0 : i32
    return %arg0, %c0_i32 : i32, i32
  }
}

</mosaic_0001>

<sc_bundles>
// kernel: kernel.11.cloned.1.call-start
scs
__scs_entry_jumppad:
0x0: {  	(pc) =	sbr.rel $0x88, $3  }
0x1: {  	(tag) =	ssettag $0x0;
	lr =	simm.s32 $0x1  }
0x2: {  	[smem:$0x3F9B] =	sst lr;
	_ =	strace $0xD0000000  }
0x3: {  	_ = 	snop  }
0x4: {  	_ = 	snop  }
0x5: {  	_ = 	snop  }
0x6: {  	_ = 	snop  }
0x7: {  	_ = 	snop  }
__scs_overlays_trampoline_lowered:
0x8: {  	[smem:$0x3FAA] =	sst s0  }
0x9: {  	[smem:$0x3FAB] =	sst s1  }
0xa: {  	[smem:$0x3FAC] =	sst s2  }
0xb: {  	[smem:$0x3FAD] =	sst s3  }
0xc: {  	[smem:$0x3FAE] =	sst s4  }
0xd: {  	[smem:$0x3FAF] =	sst s5  }
0xe: {  	[smem:$0x3FB0] =	sst s6  }
0xf: {  	[smem:$0x3FB1] =	sst s7  }
0x10: {  	[smem:$0x3FB2] =	sst s8  }
0x11: {  	[smem:$0x3FB3] =	sst s9;
	s0 =	simm.s32 @!p0 $0x0  }
0x12: {  	s1 =	sld [smem:$0x3F99];
	s0 =	simm.s32 @p0 $0x1  }
0x13: {  	[smem:$0x3FB4] =	sst s0;
	s0 =	simm.s32 @!p1 $0x0  }
0x14: {  	s2 =	sld [smem:$0x3F98];
	s0 =	simm.s32 @p1 $0x1  }
0x15: {  	[smem:$0x3FB5] =	sst s0;
	s0 =	simm.s32 @!p2 $0x0  }
0x16: {  	s3 =	sld [smem:$0x3FDB];
	s0 =	simm.s32 @p2 $0x1  }
0x17: {  	s4 =	simm.s32 $0x1BF5;
	[smem:$0x3FB7] =	sst s0  }
0x18: {  	s0 =	sld [smem:$0x3F9A];
	_ =	swait.ge [sflag:s4], $0x0  }
0x19: {  	s7 =	sld [smem:$0x3F9B]  }
0x1a: {  	s8 =	sadd.s32 $0xFFFFE003, lr  }
0x1b: {  	s9 =	sadd.s32 $0xFFFFFEF7, lr;
	s5 =	simm.s32 $0xFFFFFFFF;
	p2 =	slt.u32 s8, $0xFFFFF086  }
0x1c: {  	p1 =	slt.u32 s9, $0xF7A;
	s5 =	simm.s32 @!p2 $0x0  }
0x1d: {  	s5 =	simm.s32 @p1 $0x1;
	p0 =	seq.s32 s7, s2  }
0x1e: {  	s7 =	smul.u32 @!p0 $0xF7A, s2;
	p2 =	seq.s32 @!p0 s5, $0x0  }
0x1f: {  	s9 =	smul.u32 $0xF7A, s1;
	s8 =	simm.s32 @!p0 $0x1BF5;
	p2 =	por !p2, p0  }
0x20: {  	[sflag:s8] =	ssyncset.s32 @!p0 $0xFFFFF086;
	s6 =	sadd.s32 @!p0 s3, s7;
	s7 =	simm.s32 @!p0 $0x108  }
0x21: {  	s3 =	sadd.s32 s3, s9;
	s6 =	sadd.s32 @!p0 $0x88, s6;
	s7 =	simm.s32 @p2 $0x1082  }
0x22: {  	[simem:s7], [sflag:s8] =	dma.local @!p0 [hbm:s6], $0xF7A  }
0x23: {  	s9 =	sor.u32 $0xD0000000, s2;
	s6 =	simm.s32 $0x108;
	_ =	swait.ge @!p0 [sflag:s8], $0x0  }
0x24: {  	s3 =	sadd.s32 $0x88, s3;
	s6 =	simm.s32 @!p1 $0x1082;
	[sflag:s4] =	ssyncset.s32 $0xFFFFF086  }
0x25: {  	[simem:s6], [sflag:s4] =	dma.local [hbm:s3], $0xF7A  }
0x26: {  	[smem:$0x3F9B] =	sst s1;
	(tag) =	ssettag s2;
	_ =	strace s9  }
0x27: {  	s1 =	sld [smem:$0x3FAB]  }
0x28: {  	s2 =	sld [smem:$0x3FAC]  }
0x29: {  	s4 =	sld [smem:$0x3FAE]  }
0x2a: {  	p0 =	seq.s32 s5, $0x0;
	s5 =	sld [smem:$0x3FAF]  }
0x2b: {  	s6 =	sld [smem:$0x3FB0]  }
0x2c: {  	s7 =	sld [smem:$0x3FB1]  }
0x2d: {  	s3 =	simm.s32 $0x108;
	s8 =	sld [smem:$0x3FB2]  }
0x2e: {  	s3 =	simm.s32 @!p0 $0x1082;
	s9 =	sld [smem:$0x3FB3]  }
0x2f: {  	lr =	sadd.s32 s0, s3;
	s0 =	sld [smem:$0x3FAA]  }
0x30: {  	s3 =	sld [smem:$0x3FAD]  }
0x31: {  	[smem:$0x3FB6] =	sst s10  }
0x32: {  	s10 =	sld [smem:$0x3FB4];
	_ =	sdelay $0x3  }
0x33: {  	p0 =	seq.s32 s10, $0x1;
	s10 =	sld [smem:$0x3FB6];
	_ =	sdelay $0x3  }
0x34: {  	[smem:$0x3FB6] =	sst s10  }
0x35: {  	s10 =	sld [smem:$0x3FB5];
	_ =	sdelay $0x3  }
0x36: {  	p1 =	seq.s32 s10, $0x1;
	s10 =	sld [smem:$0x3FB6];
	_ =	sdelay $0x3  }
0x37: {  	[smem:$0x3FB6] =	sst s10  }
0x38: {  	s10 =	sld [smem:$0x3FB7]  }
0x39: {  	_ = 	snop;
	(pc) =	sbr.ind lr, $3  }
0x3a: {  	_ = 	snop  }
0x3b: {  	_ = 	snop  }
0x3c: {  	p2 =	seq.s32 s10, $0x1;
	s10 =	sld [smem:$0x3FB6]  }
0x3d: {  	_ =	shalt  }
0x3e: {  	_ =	shalt  }
0x3f: {  	_ =	shalt  }
0x40: {  	_ =	shalt  }
0x41: {  	_ =	shalt  }
0x42: {  	_ =	shalt  }
0x43: {  	_ =	shalt  }
0x44: {  	_ =	shalt  }
0x45: {  	_ =	shalt  }
0x46: {  	_ =	shalt  }
0x47: {  	_ =	shalt  }
0x48: {  	_ =	shalt  }
0x49: {  	_ =	shalt  }
0x4a: {  	_ =	shalt  }
0x4b: {  	_ =	shalt  }
0x4c: {  	_ =	shalt  }
0x4d: {  	_ =	shalt  }
0x4e: {  	_ =	shalt  }
0x4f: {  	_ =	shalt  }
0x50: {  	_ =	shalt  }
0x51: {  	_ =	shalt  }
0x52: {  	_ =	shalt  }
0x53: {  	_ =	shalt  }
0x54: {  	_ =	shalt  }
0x55: {  	_ =	shalt  }
0x56: {  	_ =	shalt  }
0x57: {  	_ =	shalt  }
0x58: {  	_ =	shalt  }
0x59: {  	_ =	shalt  }
0x5a: {  	_ =	shalt  }
0x5b: {  	_ =	shalt  }
0x5c: {  	_ =	shalt  }
0x5d: {  	_ =	shalt  }
0x5e: {  	_ =	shalt  }
0x5f: {  	_ =	shalt  }
0x60: {  	_ =	shalt  }
0x61: {  	_ =	shalt  }
0x62: {  	_ =	shalt  }
0x63: {  	_ =	shalt  }
0x64: {  	_ =	shalt  }
0x65: {  	_ =	shalt  }
0x66: {  	_ =	shalt  }
0x67: {  	_ =	shalt  }
0x68: {  	_ =	shalt  }
0x69: {  	_ =	shalt  }
0x6a: {  	_ =	shalt  }
0x6b: {  	_ =	shalt  }
0x6c: {  	_ =	shalt  }
0x6d: {  	_ =	shalt  }
0x6e: {  	_ =	shalt  }
0x6f: {  	_ =	shalt  }
0x70: {  	_ =	shalt  }
0x71: {  	_ =	shalt  }
0x72: {  	_ =	shalt  }
0x73: {  	_ =	shalt  }
0x74: {  	_ =	shalt  }
0x75: {  	_ =	shalt  }
0x76: {  	_ =	shalt  }
0x77: {  	_ =	shalt  }
0x78: {  	_ =	shalt  }
0x79: {  	_ =	shalt  }
0x7a: {  	_ =	shalt  }
0x7b: {  	_ =	shalt  }
0x7c: {  	_ =	shalt  }
0x7d: {  	_ =	shalt  }
0x7e: {  	_ =	shalt  }
0x7f: {  	_ =	shalt  }
0x80: {  	_ =	shalt  }
0x81: {  	_ =	shalt  }
0x82: {  	_ =	shalt  }
0x83: {  	_ =	shalt  }
0x84: {  	_ =	shalt  }
0x85: {  	_ =	shalt  }
0x86: {  	_ =	shalt  }
0x87: {  	_ =	shalt  }
.Lfunc_end0:
.L_simem_size_0:
called_computation.1_lowered:
.L_overlay_start_0:
0x88: {  	s2 =	sld [smem:$0x3FD9]  }
0x89: {  	s3 =	sld [smem:$0x3FFE];
	_ =	sdelay $0x1  }
0x8a: {  	s1 =	srdreg.scid  }
0x8b: {  	s0 =	sand.u32 $0x1, s1  }
0x8c: {  	s17 =	sshll.u32 s0, $0xA;
	s2 =	sadd.s32 s3, s2  }
0x8d: {  	s2 =	sadd.s32 s2, s17  }
0x8e: {  	[smem:$0x3FC2] =	sst s2  }
0x8f: {  	_ = 	snop  }
0x90: {  	s2 =	sld [smem:$0x3FD0];
	(tm) =	ssettm $0x1  }
0x91: {  	s18 =	sld [smem:$0x3FFB];
	_ =	sdelay $0x3  }
0x92: {  	_ =	strace s18  }
0x93: {  	s3 =	sld [smem:$0x3FFC];
	_ =	sdelay $0x3  }
0x94: {  	_ =	strace s3  }
0x95: {  	s3 =	sld [smem:$0x3FFD];
	_ =	sdelay $0x3  }
0x96: {  	_ =	strace s3  }
0x97: {  	_ =	strace $0x8FFFFFFF  }
0x98: {  	s19 =	sld [smem:$0x3FDB];
	_ =	sdelay $0x1  }
0x99: {  	s4 =	simm.s32 $_scs_section_size  }
0x9a: {  	s5 =	simm.s32 $_size__tile_overlayer_lowered;
	s6 =	simm.s32 $_tile_overlayer_lowered  }
0x9b: {  	s22 =	simm.s32 $0x1BFF;
	s21 =	sshll.u32 s6, $0x1;
	s3 =	sadd.s32 s4, s19  }
0x9c: {  	s7 =	simm.s32 $0x0;
	s20 =	sshll.u32 s5, $0x1;
	s5 =	sadd.s32 s21, s3  }
0x9d: {  	[timem:s7], [sflag:s22] =	dma.local [hbm:s5], s20  }
0x9e: {  	_ =	swait.ge [sflag:s22], s20  }
0x9f: {  	s4 =	ssub.s32 $0x0, s20;
	[sflag:s22] =	ssyncset.done $0x0  }
0xa0: {  	[sflag:s22] =	ssyncadd.s32 s4;
	_ =	sdelay $0x1  }
0xa1: {  	s23 =	simm.s32 $0x1B8B  }
0xa2: {  	_ =	swait.ge [sflag:s23], $0x1  }
0xa3: {  	[sflag:s23] =	ssyncset.done $0x0  }
0xa4: {  	s25 =	simm.s32 $0x1B8E;
	s24 =	sld [smem:$0x3FFE];
	[sflag:s23] =	ssyncadd.s32 $0xFFFFFFFF  }
0xa5: {  	s26 =	simm.s32 $execute0_lowered;
	[smem:$0x3FD2] =	sst s25  }
0xa6: {  	s5 =	sshll.u32 s26, $0x1;
	_ =	strace $0x80000049;
	[dreg:$0x1] =	wrdreg $0xFFFFFFFF  }
0xa7: {  	s28 =	simm.s32 $_size_execute0_lowered;
	s3 =	sadd.s32 s3, s5;
	[dreg:$0x0] =	wrdreg $0x0  }
0xa8: {  	s5 =	sshll.u32 s28, $0x1;
	[dreg:$0x2] =	wrdreg s3  }
0xa9: {  	[dreg:$0x3] =	wrdreg s5  }
0xaa: {  	[dreg:$0x4] =	wrdreg $0xC0  }
0xab: {  	_ =	task [dreg:s7], $0x5FFFF  }
0xac: {  	[dreg:$0x1] =	wrdreg $0xFFFFFFFF  }
0xad: {  	[dreg:$0x0] =	wrdreg $0x60  }
0xae: {  	[dreg:$0x2] =	wrdreg s2  }
0xaf: {  	[dreg:$0x3] =	wrdreg s24  }
0xb0: {  	[dreg:$0x4] =	wrdreg $0x90000  }
0xb1: {  	[dreg:$0x5] =	wrdreg $0x9  }
0xb2: {  	_ =	task.clear_ibuf [dreg:s7], $0x6FFFF;
	_ =	strace $0x90000049  }
0xb3: {  	s29 =	simm.s32 $0x9;
	_ =	strace $0x8000004B  }
0xb4: {  	_ =	swait.ge [sflag:s29], $0x1  }
0xb5: {  	[sflag:s29] =	ssyncadd.s32 $0xFFFFFFFF  }
0xb6: {  	_ =	strace $0x9000004B  }
0xb7: {  	_ =	sfence  }
0xb8: {  	s30 =	sld [smem:$0x0];
	_ =	sdelay $0x2  }
0xb9: {  	s31 =	sshll.u32 s1, $0xD;
	s1 =	sshrl.u32 s1, $0x2  }
0xba: {  	s3 =	sand.u32 $0x4000, s31;
	s1 =	sadd.s32 s1, s30  }
0xbb: {  	s0 =	sor.u32 s3, s0;
	s1 =	sshll.u32 s1, $0x11  }
0xbc: {  	s0 =	sor.u32 s1, s0  }
0xbd: {  	s0 =	sadd.s32 $0x8F2B, s0  }
0xbe: {  	[sflag:s0] =	ssyncadd.remote.s32 $0x1  }
0xbf: {  	_ =	sfence.sel $0xFFFF  }
0xc0: {  	[dreg:$0x0] =	wrdreg $0xFFFFFFFF;
	(pc) =	sbr.abs _section_cstart, $3  }
0xc1: {  	[dreg:$0x1] =	wrdreg $0xFFFFFFFF  }
0xc2: {  	_ =	task.clear_ibuf [dreg:s7], $0x2FFFF;
	_ =	strace $0x9FFFFFFF  }
0xc3: {  	(tm) =	ssettm $0x7FFFFFFF  }
tec
execute0_lowered:
.L_overlay_start_1:
0x0: {  	(tag) =	ssettag $0x1  }
0x1: {  	s0 =	rddreg [dreg:$0x0];
	s1 =	srdreg.scid  }
0x2: {  	s16 =	stileid.u32;
	s4 =	rddreg [dreg:$0x1]  }
0x3: {  	s2 =	rddreg [dreg:$0x2];
	s3 =	simm.s32 $0x0;
	s13 =	simm.s32 $0x5000  }
0x4: {  	s14 =	simm.s32 $0x2;
	s15 =	simm.s32 $0x2800;
	s17 =	simm.s32 $0x1  }
0x5: {  	s5 =	sand.u32 $0x1, s1;
	s30 =	sshll.u32 s16, $0x1;
	s1 =	rddreg [dreg:$0x3]  }
0x6: {  	[smem:$0x7FF] =	sst s3;
	s8 =	smul.u32 $0x50000, s16;
	s6 =	sor.u32 s5, s30  }
0x7: {  	p0 =	sne.s32 s16, $0x0;
	s16 =	simm.s32 $0x80;
	s6 =	smul.u32 $0x500, s6  }
0x8: {  	s7 =	smul.u32 $0x27100, s5;
	_ =	strace $0x8000004A;
	s5 =	ssub.s32 $0x2, s5  }
0x9: {  	s31 =	sshrl.u32 s5, $0x1;
	s8 =	sshrl.u32 s8, $0x2;
	s6 =	sadd.s32 s6, s4  }
0xa: {  	s7 =	sadd.s32 s7, s4;
	s9 =	ssub.s32 s5, s31;
	s4 =	sadd.s32 $0x5A400, s6  }
0xb: {  	s5 =	sadd.s32 $0x2200, s6;
	s6 =	sadd.s32 $0x64400, s7;
	s7 =	sadd.s32 s8, s2  }
0xc: {  	s18 =	sshrl.u32 @!p0 s2, $0x3;
	s8 =	smax.u32 s9, $0x1;
	s9 =	sadd.s32 $0x4000, s7  }
0xd: {  	v0 =	vimm.f32 $0.0e+00;
	s10 =	sadd.s32 $0x8000, s7;
	s11 =	sadd.s32 $0xC000, s7;
	s12 =	sadd.s32 $0x10000, s7  }
.LBB2_1:
0xe: {  	s19 =	simm.s32 $0x0;
	s20 =	simm.s32 $0x200  }
.LBB2_2:
0xf: {  	p1 =	sne.s32 s20, $0xFE00;
	[tilespmem:s19+$0x5070] =	vst v0  }
0x10: {  	[tilespmem:s19+$0x5000] =	vst v0  }
0x11: {  	[tilespmem:s19+$0x5010] =	vst v0  }
.Ltmp0:
0x12: {  	[tilespmem:s19+$0x5020] =	vst v0;
	(pc) =	sbr.rel @p1 .LBB2_2-.Ltmp0, $4  }
0x13: {  	[tilespmem:s19+$0x5030] =	vst v0  }
0x14: {  	[tilespmem:s19+$0x5040] =	vst v0  }
0x15: {  	[tilespmem:s19+$0x5050] =	vst v0  }
0x16: {  	[tilespmem:s19+$0x5060] =	vst v0;
	s19 =	sshra.s32 s20, $0x2;
	s20 =	sadd.s32 $0x200, s20  }
0x17: {  	[tilespmem:s19+$0x5070] =	vst v0  }
0x18: {  	[tilespmem:s19+$0x5000] =	vst v0  }
0x19: {  	[tilespmem:s19+$0x5010] =	vst v0  }
0x1a: {  	[tilespmem:s19+$0x5020] =	vst v0  }
0x1b: {  	[tilespmem:s19+$0x5030] =	vst v0  }
0x1c: {  	[tilespmem:s19+$0x5040] =	vst v0  }
0x1d: {  	[tilespmem:s19+$0x5050] =	vst v0  }
0x1e: {  	[tilespmem:s19+$0x5060] =	vst v0  }
0x1f: {  	[spmem:s7] =	stream.linear.scatter [tilespmem:s13], [sflag:$0x2], $0x4000, $0x38;
	[tilespmem:$0x1D000] =	vst v63  }
0x20: {  	_ =	swait.ge [sflag:s14], $0x4000  }
0x21: {  	[sflag:s14] =	ssyncset.done $0x0  }
0x22: {  	[sflag:s14] =	ssyncadd.s32 $0xFFFFC000  }
0x23: {  	[spmem:s9] =	stream.linear.scatter [tilespmem:s13], [sflag:$0x2], $0x4000, $0x38;
	[tilespmem:$0x1D000] =	vst v63  }
0x24: {  	_ =	swait.ge [sflag:s14], $0x4000  }
0x25: {  	[sflag:s14] =	ssyncset.done $0x0  }
0x26: {  	[sflag:s14] =	ssyncadd.s32 $0xFFFFC000  }
0x27: {  	[spmem:s10] =	stream.linear.scatter [tilespmem:s13], [sflag:$0x2], $0x4000, $0x38;
	[tilespmem:$0x1D000] =	vst v63  }
0x28: {  	_ =	swait.ge [sflag:s14], $0x4000  }
0x29: {  	[sflag:s14] =	ssyncset.done $0x0  }
0x2a: {  	[sflag:s14] =	ssyncadd.s32 $0xFFFFC000  }
0x2b: {  	[spmem:s11] =	stream.linear.scatter [tilespmem:s13], [sflag:$0x2], $0x4000, $0x38;
	[tilespmem:$0x1D000] =	vst v63  }
0x2c: {  	_ =	swait.ge [sflag:s14], $0x4000  }
0x2d: {  	[sflag:s14] =	ssyncset.done $0x0  }
0x2e: {  	[sflag:s14] =	ssyncadd.s32 $0xFFFFC000  }
0x2f: {  	[spmem:s12] =	stream.linear.scatter [tilespmem:s13], [sflag:$0x2], $0x4000, $0x38;
	[tilespmem:$0x1D000] =	vst v63  }
0x30: {  	_ =	swait.ge [sflag:s14], $0x4000  }
0x31: {  	[sflag:s14] =	ssyncset.done $0x0  }
0x32: {  	[sflag:s14] =	ssyncadd.s32 $0xFFFFC000  }
0x33: {  	s29 =	simm.s32 $0x0;
	[bflag:$0x0] =	sbarrier.arrive $0xFFFF  }
0x34: {  	[tilespmem:s29], [sflag:$0x2] =	stream.linear.gather [hbm4b:s4+s29], $0x2780, $0x38;
	[tilespmem:$0x1D000] =	vst v63  }
0x35: {  	_ =	swait.ge [sflag:s14], $0x2780  }
0x36: {  	[sflag:s14] =	ssyncset.done $0x0  }
0x37: {  	[sflag:s14] =	ssyncadd.s32 $0xFFFFD880  }
0x38: {  	[tilespmem:s15], [sflag:$0x2] =	stream.linear.gather [hbm4b:s5+s29], $0x2780, $0x38;
	[tilespmem:$0x1D000] =	vst v63  }
0x39: {  	_ =	swait.ge [sflag:s14], $0x2780  }
0x3a: {  	[sflag:s14] =	ssyncset.done $0x0  }
0x3b: {  	s30 =	simm.s32 $0x0;
	[sflag:s14] =	ssyncadd.s32 $0xFFFFD880  }
0x3c: {  	[tilespmem:s13], [sflag:$0x1] =	stream.indirect.gather [hbm4b:s0+s16], $0x80, s30, s16, $0xb8;
	[tilespmem:$0x1D000] =	vst v63  }
0x3d: {  	_ =	swait.ge [sflag:s17], $0x4000  }
0x3e: {  	[sflag:s17] =	ssyncset.done $0x0  }
0x3f: {  	s31 =	simm.s32 $0x2800;
	[sflag:s17] =	ssyncadd.s32 $0xFFFFC000  }
0x40: {  	[spmem:s2] =	stream.indirect.scatter.add.f32 [tilespmem:s13], [sflag:$0x2], $0x80, s31, s16, $0xb8;
	[tilespmem:$0x1D000] =	vst v63  }
0x41: {  	_ =	swait.ge [sflag:s14], $0x4000  }
0x42: {  	s19 =	simm.s32 $0x200;
	s20 =	simm.s32 $0x400;
	[sflag:s14] =	ssyncset.done $0x0  }
.LBB2_4:
0x43: {  	s21 =	sshra.s32 s19, $0x2  }
0x44: {  	[sflag:s14] =	ssyncadd.s32 $0xFFFFC000;
	s19 =	smov.u32 s20;
	s22 =	sadd.s32 $0x200, s20  }
0x45: {  	[tilespmem:s13], [sflag:$0x1] =	stream.indirect.gather [hbm4b:s0+s16], $0x80, s21, s16, $0xb8;
	[tilespmem:$0x1D000] =	vst v63  }
0x46: {  	p1 =	sne.s32 s20, $0x9C00;
	_ =	swait.ge [sflag:s17], $0x4000  }
.Ltmp1:
0x47: {  	[sflag:s17] =	ssyncset.done $0x0;
	(pc) =	sbr.rel @p1 .LBB2_4-.Ltmp1, $4  }
0x48: {  	s20 =	sadd.s32 $0x2800, s21;
	[sflag:s17] =	ssyncadd.s32 $0xFFFFC000  }
0x49: {  	[spmem:s2] =	stream.indirect.scatter.add.f32 [tilespmem:s13], [sflag:$0x2], $0x80, s20, s16, $0xb8;
	[tilespmem:$0x1D000] =	vst v63  }
0x4a: {  	_ =	swait.ge [sflag:s14], $0x4000  }
0x4b: {  	s20 =	smov.u32 s22;
	[sflag:s14] =	ssyncset.done $0x0  }
0x4c: {  	s19 =	sshra.s32 s19, $0x2;
	[sflag:s14] =	ssyncadd.s32 $0xFFFFC000  }
0x4d: {  	[tilespmem:s13], [sflag:$0x1] =	stream.indirect.gather [hbm4b:s0+s16], $0x80, s19, s16, $0xb8;
	[tilespmem:$0x1D000] =	vst v63  }
0x4e: {  	_ =	swait.ge [sflag:s17], $0x4000  }
0x4f: {  	[sflag:s17] =	ssyncset.done $0x0  }
0x50: {  	s19 =	sadd.s32 $0x2800, s19;
	[sflag:s17] =	ssyncadd.s32 $0xFFFFC000  }
0x51: {  	[spmem:s2] =	stream.indirect.scatter.add.f32 [tilespmem:s13], [sflag:$0x2], $0x80, s19, s16, $0xb8;
	[tilespmem:$0x1D000] =	vst v63  }
0x52: {  	_ =	swait.ge [sflag:s14], $0x4000  }
0x53: {  	[sflag:s14] =	ssyncset.done $0x0  }
0x54: {  	s3 =	sadd.s32 $0x1, s3;
	[sflag:s14] =	ssyncadd.s32 $0xFFFFC000  }
0x55: {  	p1 =	sne.s32 s3, s8;
	s19 =	simm.s32 @!p0 $0x1C02;
	[bflag:$0x0] =	sbarrier.arrive $0xFFFF  }
0x56: {  	[hbm:s6], [sflag:s19] =	dma.local @!p0 [spmem:s18], $0x27100  }
.Ltmp2:
0x57: {  	_ = 	snop;
	(pc) =	sbr.rel @p1 .LBB2_1-.Ltmp2, $4  }
0x58: {  	s19 =	simm.s32 @!p0 $0x2  }
0x59: {  	_ =	swait.ge @!p0 [sflag:s19], $0x27100  }
0x5a: {  	[sflag:s19] =	ssyncset.done @!p0 $0x0  }
0x5b: {  	[sflag:s19] =	ssyncadd.s32 @!p0 $0xFFFD8F00  }
0x5c: {  	_ =	sfence.sel $0x180000  }
0x5d: {  	[bflag:$0x0] =	sbarrier.arrive $0xFFFF  }
0x5e: {  	_ =	strace $0x9000004A  }
0x5f: {  	s0 =	sadd.s32 @!p0 $0x100000, s1;
	[bflag:$0x2] =	sbarrier.arrive $0xFFFF  }
0x60: {  	[sflag:s0] =	ssyncadd.tile.s32 @!p0 $0x1;
	_ =	shalt  }
.Lfunc_end2:
_tile_overlayer_lowered:
.L_overlay_start_2:
0x61: {  	(tag) =	ssettag $0x2  }
0x62: {  	s0 =	rddreg [dreg:$0x0];
	s2 =	stileid.u32  }
0x63: {  	s1 =	rddreg [dreg:$0x1];
	p0 =	sne.s32 s2, $0x0  }
0x64: {  	s3 =	rddreg [dreg:$0x2];
	[bflag:$0x3] =	sbarrier.arrive $0xFFFF;
	s2 =	simm.s32 @!p0 $0x1C02  }
0x65: {  	[timem:s3], [sflag:s2] =	dma.local @!p0 [hbm:s0], s1  }
0x66: {  	s0 =	simm.s32 @!p0 $0x2  }
0x67: {  	_ =	swait.ge @!p0 [sflag:s0], s1  }
0x68: {  	s1 =	ssub.s32 @!p0 $0x0, s1;
	[sflag:s0] =	ssyncset.done @!p0 $0x0  }
0x69: {  	[sflag:s0] =	ssyncadd.s32 @!p0 s1  }
0x6a: {  	[bflag:$0x3] =	sbarrier.arrive $0xFFFF  }
0x6b: {  	_ =	shalt  }

// kernel: kernel.14.cloned.1.call-start
scs
__scs_entry_jumppad:
0x0: {  	(pc) =	sbr.rel $0x88, $3  }
0x1: {  	(tag) =	ssettag $0x0;
	lr =	simm.s32 $0x1  }
0x2: {  	[smem:$0x3F9B] =	sst lr;
	_ =	strace $0xD0000000  }
0x3: {  	_ = 	snop  }
0x4: {  	_ = 	snop  }
0x5: {  	_ = 	snop  }
0x6: {  	_ = 	snop  }
0x7: {  	_ = 	snop  }
__scs_overlays_trampoline_lowered:
0x8: {  	[smem:$0x3FAA] =	sst s0  }
0x9: {  	[smem:$0x3FAB] =	sst s1  }
0xa: {  	[smem:$0x3FAC] =	sst s2  }
0xb: {  	[smem:$0x3FAD] =	sst s3  }
0xc: {  	[smem:$0x3FAE] =	sst s4  }
0xd: {  	[smem:$0x3FAF] =	sst s5  }
0xe: {  	[smem:$0x3FB0] =	sst s6  }
0xf: {  	[smem:$0x3FB1] =	sst s7  }
0x10: {  	[smem:$0x3FB2] =	sst s8  }
0x11: {  	[smem:$0x3FB3] =	sst s9;
	s0 =	simm.s32 @!p0 $0x0  }
0x12: {  	s1 =	sld [smem:$0x3F99];
	s0 =	simm.s32 @p0 $0x1  }
0x13: {  	[smem:$0x3FB4] =	sst s0;
	s0 =	simm.s32 @!p1 $0x0  }
0x14: {  	s2 =	sld [smem:$0x3F98];
	s0 =	simm.s32 @p1 $0x1  }
0x15: {  	[smem:$0x3FB5] =	sst s0;
	s0 =	simm.s32 @!p2 $0x0  }
0x16: {  	s3 =	sld [smem:$0x3FDB];
	s0 =	simm.s32 @p2 $0x1  }
0x17: {  	s4 =	simm.s32 $0x1BF5;
	[smem:$0x3FB7] =	sst s0  }
0x18: {  	s0 =	sld [smem:$0x3F9A];
	_ =	swait.ge [sflag:s4], $0x0  }
0x19: {  	s7 =	sld [smem:$0x3F9B]  }
0x1a: {  	s8 =	sadd.s32 $0xFFFFE003, lr  }
0x1b: {  	s9 =	sadd.s32 $0xFFFFFEF7, lr;
	s5 =	simm.s32 $0xFFFFFFFF;
	p2 =	slt.u32 s8, $0xFFFFF086  }
0x1c: {  	p1 =	slt.u32 s9, $0xF7A;
	s5 =	simm.s32 @!p2 $0x0  }
0x1d: {  	s5 =	simm.s32 @p1 $0x1;
	p0 =	seq.s32 s7, s2  }
0x1e: {  	s7 =	smul.u32 @!p0 $0xF7A, s2;
	p2 =	seq.s32 @!p0 s5, $0x0  }
0x1f: {  	s9 =	smul.u32 $0xF7A, s1;
	s8 =	simm.s32 @!p0 $0x1BF5;
	p2 =	por !p2, p0  }
0x20: {  	[sflag:s8] =	ssyncset.s32 @!p0 $0xFFFFF086;
	s6 =	sadd.s32 @!p0 s3, s7;
	s7 =	simm.s32 @!p0 $0x108  }
0x21: {  	s3 =	sadd.s32 s3, s9;
	s6 =	sadd.s32 @!p0 $0x88, s6;
	s7 =	simm.s32 @p2 $0x1082  }
0x22: {  	[simem:s7], [sflag:s8] =	dma.local @!p0 [hbm:s6], $0xF7A  }
0x23: {  	s9 =	sor.u32 $0xD0000000, s2;
	s6 =	simm.s32 $0x108;
	_ =	swait.ge @!p0 [sflag:s8], $0x0  }
0x24: {  	s3 =	sadd.s32 $0x88, s3;
	s6 =	simm.s32 @!p1 $0x1082;
	[sflag:s4] =	ssyncset.s32 $0xFFFFF086  }
0x25: {  	[simem:s6], [sflag:s4] =	dma.local [hbm:s3], $0xF7A  }
0x26: {  	[smem:$0x3F9B] =	sst s1;
	(tag) =	ssettag s2;
	_ =	strace s9  }
0x27: {  	s1 =	sld [smem:$0x3FAB]  }
0x28: {  	s2 =	sld [smem:$0x3FAC]  }
0x29: {  	s4 =	sld [smem:$0x3FAE]  }
0x2a: {  	p0 =	seq.s32 s5, $0x0;
	s5 =	sld [smem:$0x3FAF]  }
0x2b: {  	s6 =	sld [smem:$0x3FB0]  }
0x2c: {  	s7 =	sld [smem:$0x3FB1]  }
0x2d: {  	s3 =	simm.s32 $0x108;
	s8 =	sld [smem:$0x3FB2]  }
0x2e: {  	s3 =	simm.s32 @!p0 $0x1082;
	s9 =	sld [smem:$0x3FB3]  }
0x2f: {  	lr =	sadd.s32 s0, s3;
	s0 =	sld [smem:$0x3FAA]  }
0x30: {  	s3 =	sld [smem:$0x3FAD]  }
0x31: {  	[smem:$0x3FB6] =	sst s10  }
0x32: {  	s10 =	sld [smem:$0x3FB4];
	_ =	sdelay $0x3  }
0x33: {  	p0 =	seq.s32 s10, $0x1;
	s10 =	sld [smem:$0x3FB6];
	_ =	sdelay $0x3  }
0x34: {  	[smem:$0x3FB6] =	sst s10  }
0x35: {  	s10 =	sld [smem:$0x3FB5];
	_ =	sdelay $0x3  }
0x36: {  	p1 =	seq.s32 s10, $0x1;
	s10 =	sld [smem:$0x3FB6];
	_ =	sdelay $0x3  }
0x37: {  	[smem:$0x3FB6] =	sst s10  }
0x38: {  	s10 =	sld [smem:$0x3FB7]  }
0x39: {  	_ = 	snop;
	(pc) =	sbr.ind lr, $3  }
0x3a: {  	_ = 	snop  }
0x3b: {  	_ = 	snop  }
0x3c: {  	p2 =	seq.s32 s10, $0x1;
	s10 =	sld [smem:$0x3FB6]  }
0x3d: {  	_ =	shalt  }
0x3e: {  	_ =	shalt  }
0x3f: {  	_ =	shalt  }
0x40: {  	_ =	shalt  }
0x41: {  	_ =	shalt  }
0x42: {  	_ =	shalt  }
0x43: {  	_ =	shalt  }
0x44: {  	_ =	shalt  }
0x45: {  	_ =	shalt  }
0x46: {  	_ =	shalt  }
0x47: {  	_ =	shalt  }
0x48: {  	_ =	shalt  }
0x49: {  	_ =	shalt  }
0x4a: {  	_ =	shalt  }
0x4b: {  	_ =	shalt  }
0x4c: {  	_ =	shalt  }
0x4d: {  	_ =	shalt  }
0x4e: {  	_ =	shalt  }
0x4f: {  	_ =	shalt  }
0x50: {  	_ =	shalt  }
0x51: {  	_ =	shalt  }
0x52: {  	_ =	shalt  }
0x53: {  	_ =	shalt  }
0x54: {  	_ =	shalt  }
0x55: {  	_ =	shalt  }
0x56: {  	_ =	shalt  }
0x57: {  	_ =	shalt  }
0x58: {  	_ =	shalt  }
0x59: {  	_ =	shalt  }
0x5a: {  	_ =	shalt  }
0x5b: {  	_ =	shalt  }
0x5c: {  	_ =	shalt  }
0x5d: {  	_ =	shalt  }
0x5e: {  	_ =	shalt  }
0x5f: {  	_ =	shalt  }
0x60: {  	_ =	shalt  }
0x61: {  	_ =	shalt  }
0x62: {  	_ =	shalt  }
0x63: {  	_ =	shalt  }
0x64: {  	_ =	shalt  }
0x65: {  	_ =	shalt  }
0x66: {  	_ =	shalt  }
0x67: {  	_ =	shalt  }
0x68: {  	_ =	shalt  }
0x69: {  	_ =	shalt  }
0x6a: {  	_ =	shalt  }
0x6b: {  	_ =	shalt  }
0x6c: {  	_ =	shalt  }
0x6d: {  	_ =	shalt  }
0x6e: {  	_ =	shalt  }
0x6f: {  	_ =	shalt  }
0x70: {  	_ =	shalt  }
0x71: {  	_ =	shalt  }
0x72: {  	_ =	shalt  }
0x73: {  	_ =	shalt  }
0x74: {  	_ =	shalt  }
0x75: {  	_ =	shalt  }
0x76: {  	_ =	shalt  }
0x77: {  	_ =	shalt  }
0x78: {  	_ =	shalt  }
0x79: {  	_ =	shalt  }
0x7a: {  	_ =	shalt  }
0x7b: {  	_ =	shalt  }
0x7c: {  	_ =	shalt  }
0x7d: {  	_ =	shalt  }
0x7e: {  	_ =	shalt  }
0x7f: {  	_ =	shalt  }
0x80: {  	_ =	shalt  }
0x81: {  	_ =	shalt  }
0x82: {  	_ =	shalt  }
0x83: {  	_ =	shalt  }
0x84: {  	_ =	shalt  }
0x85: {  	_ =	shalt  }
0x86: {  	_ =	shalt  }
0x87: {  	_ =	shalt  }
.Lfunc_end0:
.L_simem_size_0:
called_computation.2_lowered:
.L_overlay_start_0:
0x88: {  	s2 =	sld [smem:$0x3FD9]  }
0x89: {  	s3 =	sld [smem:$0x3FFE];
	_ =	sdelay $0x1  }
0x8a: {  	s1 =	srdreg.scid  }
0x8b: {  	s0 =	sand.u32 $0x1, s1  }
0x8c: {  	s17 =	sshll.u32 s0, $0xA;
	s2 =	sadd.s32 s3, s2  }
0x8d: {  	s2 =	sadd.s32 s2, s17  }
0x8e: {  	[smem:$0x3FC2] =	sst s2  }
0x8f: {  	_ = 	snop  }
0x90: {  	s2 =	sld [smem:$0x3FD0];
	(tm) =	ssettm $0x1  }
0x91: {  	s18 =	sld [smem:$0x3FFB];
	_ =	sdelay $0x3  }
0x92: {  	_ =	strace s18  }
0x93: {  	s3 =	sld [smem:$0x3FFC];
	_ =	sdelay $0x3  }
0x94: {  	_ =	strace s3  }
0x95: {  	s3 =	sld [smem:$0x3FFD];
	_ =	sdelay $0x3  }
0x96: {  	_ =	strace s3  }
0x97: {  	_ =	strace $0x8FFFFFFF  }
0x98: {  	s19 =	sld [smem:$0x3FDB];
	_ =	sdelay $0x1  }
0x99: {  	s4 =	simm.s32 $_scs_section_size  }
0x9a: {  	s5 =	simm.s32 $_size__tile_overlayer_lowered;
	s6 =	simm.s32 $_tile_overlayer_lowered  }
0x9b: {  	s22 =	simm.s32 $0x1BFF;
	s21 =	sshll.u32 s6, $0x1;
	s3 =	sadd.s32 s4, s19  }
0x9c: {  	s7 =	simm.s32 $0x0;
	s20 =	sshll.u32 s5, $0x1;
	s5 =	sadd.s32 s21, s3  }
0x9d: {  	[timem:s7], [sflag:s22] =	dma.local [hbm:s5], s20  }
0x9e: {  	_ =	swait.ge [sflag:s22], s20  }
0x9f: {  	s4 =	ssub.s32 $0x0, s20;
	[sflag:s22] =	ssyncset.done $0x0  }
0xa0: {  	[sflag:s22] =	ssyncadd.s32 s4;
	_ =	sdelay $0x1  }
0xa1: {  	s23 =	simm.s32 $0x1B8B  }
0xa2: {  	_ =	swait.ge [sflag:s23], $0x1  }
0xa3: {  	[sflag:s23] =	ssyncset.done $0x0  }
0xa4: {  	s25 =	simm.s32 $0x1B8E;
	s24 =	sld [smem:$0x3FFE];
	[sflag:s23] =	ssyncadd.s32 $0xFFFFFFFF  }
0xa5: {  	s26 =	simm.s32 $execute0_lowered;
	[smem:$0x3FD2] =	sst s25  }
0xa6: {  	s5 =	sshll.u32 s26, $0x1;
	_ =	strace $0x8000004C;
	[dreg:$0x1] =	wrdreg $0xFFFFFFFF  }
0xa7: {  	s28 =	simm.s32 $_size_execute0_lowered;
	s3 =	sadd.s32 s3, s5;
	[dreg:$0x0] =	wrdreg $0x0  }
0xa8: {  	s5 =	sshll.u32 s28, $0x1;
	[dreg:$0x2] =	wrdreg s3  }
0xa9: {  	[dreg:$0x3] =	wrdreg s5  }
0xaa: {  	[dreg:$0x4] =	wrdreg $0xC0  }
0xab: {  	_ =	task [dreg:s7], $0x5FFFF  }
0xac: {  	[dreg:$0x1] =	wrdreg $0xFFFFFFFF  }
0xad: {  	[dreg:$0x0] =	wrdreg $0x60  }
0xae: {  	[dreg:$0x2] =	wrdreg s2  }
0xaf: {  	[dreg:$0x3] =	wrdreg s24  }
0xb0: {  	[dreg:$0x4] =	wrdreg $0x90000  }
0xb1: {  	[dreg:$0x5] =	wrdreg $0x9  }
0xb2: {  	_ =	task.clear_ibuf [dreg:s7], $0x6FFFF;
	_ =	strace $0x9000004C  }
0xb3: {  	s29 =	simm.s32 $0x9;
	_ =	strace $0x8000004E  }
0xb4: {  	_ =	swait.ge [sflag:s29], $0x1  }
0xb5: {  	[sflag:s29] =	ssyncadd.s32 $0xFFFFFFFF  }
0xb6: {  	_ =	strace $0x9000004E  }
0xb7: {  	_ =	sfence  }
0xb8: {  	s30 =	sld [smem:$0x0];
	_ =	sdelay $0x2  }
0xb9: {  	s31 =	sshll.u32 s1, $0xD;
	s1 =	sshrl.u32 s1, $0x2  }
0xba: {  	s3 =	sand.u32 $0x4000, s31;
	s1 =	sadd.s32 s1, s30  }
0xbb: {  	s0 =	sor.u32 s3, s0;
	s1 =	sshll.u32 s1, $0x11  }
0xbc: {  	s0 =	sor.u32 s1, s0  }
0xbd: {  	s0 =	sadd.s32 $0x8F2B, s0  }
0xbe: {  	[sflag:s0] =	ssyncadd.remote.s32 $0x1  }
0xbf: {  	_ =	sfence.sel $0xFFFF  }
0xc0: {  	[dreg:$0x0] =	wrdreg $0xFFFFFFFF;
	(pc) =	sbr.abs _section_cstart, $3  }
0xc1: {  	[dreg:$0x1] =	wrdreg $0xFFFFFFFF  }
0xc2: {  	_ =	task.clear_ibuf [dreg:s7], $0x2FFFF;
	_ =	strace $0x9FFFFFFF  }
0xc3: {  	(tm) =	ssettm $0x7FFFFFFF  }
tec
execute0_lowered:
.L_overlay_start_1:
0x0: {  	(tag) =	ssettag $0x1  }
0x1: {  	s0 =	rddreg [dreg:$0x0];
	s1 =	srdreg.scid  }
0x2: {  	s16 =	stileid.u32;
	s4 =	rddreg [dreg:$0x1]  }
0x3: {  	s2 =	rddreg [dreg:$0x2];
	s3 =	simm.s32 $0x0;
	s13 =	simm.s32 $0x5000  }
0x4: {  	s14 =	simm.s32 $0x2;
	s15 =	simm.s32 $0x2800;
	s17 =	simm.s32 $0x1  }
0x5: {  	s5 =	sand.u32 $0x1, s1;
	s30 =	sshll.u32 s16, $0x1;
	s1 =	rddreg [dreg:$0x3]  }
0x6: {  	[smem:$0x7FF] =	sst s3;
	s8 =	smul.u32 $0x50000, s16;
	s6 =	sor.u32 s5, s30  }
0x7: {  	p0 =	sne.s32 s16, $0x0;
	s16 =	simm.s32 $0x80;
	s6 =	smul.u32 $0x500, s6  }
0x8: {  	s7 =	smul.u32 $0x27100, s5;
	_ =	strace $0x8000004D;
	s5 =	ssub.s32 $0x2, s5  }
0x9: {  	s31 =	sshrl.u32 s5, $0x1;
	s8 =	sshrl.u32 s8, $0x2;
	s6 =	sadd.s32 s6, s4  }
0xa: {  	s7 =	sadd.s32 s7, s4;
	s9 =	ssub.s32 s5, s31;
	s4 =	sadd.s32 $0x5A400, s6  }
0xb: {  	s5 =	sadd.s32 $0x2200, s6;
	s6 =	sadd.s32 $0x64400, s7;
	s7 =	sadd.s32 s8, s2  }
0xc: {  	s18 =	sshrl.u32 @!p0 s2, $0x3;
	s8 =	smax.u32 s9, $0x1;
	s9 =	sadd.s32 $0x4000, s7  }
0xd: {  	v0 =	vimm.f32 $0.0e+00;
	s10 =	sadd.s32 $0x8000, s7;
	s11 =	sadd.s32 $0xC000, s7;
	s12 =	sadd.s32 $0x10000, s7  }
.LBB2_1:
0xe: {  	s19 =	simm.s32 $0x0;
	s20 =	simm.s32 $0x200  }
.LBB2_2:
0xf: {  	p1 =	sne.s32 s20, $0xFE00;
	[tilespmem:s19+$0x5070] =	vst v0  }
0x10: {  	[tilespmem:s19+$0x5000] =	vst v0  }
0x11: {  	[tilespmem:s19+$0x5010] =	vst v0  }
.Ltmp0:
0x12: {  	[tilespmem:s19+$0x5020] =	vst v0;
	(pc) =	sbr.rel @p1 .LBB2_2-.Ltmp0, $4  }
0x13: {  	[tilespmem:s19+$0x5030] =	vst v0  }
0x14: {  	[tilespmem:s19+$0x5040] =	vst v0  }
0x15: {  	[tilespmem:s19+$0x5050] =	vst v0  }
0x16: {  	[tilespmem:s19+$0x5060] =	vst v0;
	s19 =	sshra.s32 s20, $0x2;
	s20 =	sadd.s32 $0x200, s20  }
0x17: {  	[tilespmem:s19+$0x5070] =	vst v0  }
0x18: {  	[tilespmem:s19+$0x5000] =	vst v0  }
0x19: {  	[tilespmem:s19+$0x5010] =	vst v0  }
0x1a: {  	[tilespmem:s19+$0x5020] =	vst v0  }
0x1b: {  	[tilespmem:s19+$0x5030] =	vst v0  }
0x1c: {  	[tilespmem:s19+$0x5040] =	vst v0  }
0x1d: {  	[tilespmem:s19+$0x5050] =	vst v0  }
0x1e: {  	[tilespmem:s19+$0x5060] =	vst v0  }
0x1f: {  	[spmem:s7] =	stream.linear.scatter [tilespmem:s13], [sflag:$0x2], $0x4000, $0x38;
	[tilespmem:$0x1D000] =	vst v63  }
0x20: {  	_ =	swait.ge [sflag:s14], $0x4000  }
0x21: {  	[sflag:s14] =	ssyncset.done $0x0  }
0x22: {  	[sflag:s14] =	ssyncadd.s32 $0xFFFFC000  }
0x23: {  	[spmem:s9] =	stream.linear.scatter [tilespmem:s13], [sflag:$0x2], $0x4000, $0x38;
	[tilespmem:$0x1D000] =	vst v63  }
0x24: {  	_ =	swait.ge [sflag:s14], $0x4000  }
0x25: {  	[sflag:s14] =	ssyncset.done $0x0  }
0x26: {  	[sflag:s14] =	ssyncadd.s32 $0xFFFFC000  }
0x27: {  	[spmem:s10] =	stream.linear.scatter [tilespmem:s13], [sflag:$0x2], $0x4000, $0x38;
	[tilespmem:$0x1D000] =	vst v63  }
0x28: {  	_ =	swait.ge [sflag:s14], $0x4000  }
0x29: {  	[sflag:s14] =	ssyncset.done $0x0  }
0x2a: {  	[sflag:s14] =	ssyncadd.s32 $0xFFFFC000  }
0x2b: {  	[spmem:s11] =	stream.linear.scatter [tilespmem:s13], [sflag:$0x2], $0x4000, $0x38;
	[tilespmem:$0x1D000] =	vst v63  }
0x2c: {  	_ =	swait.ge [sflag:s14], $0x4000  }
0x2d: {  	[sflag:s14] =	ssyncset.done $0x0  }
0x2e: {  	[sflag:s14] =	ssyncadd.s32 $0xFFFFC000  }
0x2f: {  	[spmem:s12] =	stream.linear.scatter [tilespmem:s13], [sflag:$0x2], $0x4000, $0x38;
	[tilespmem:$0x1D000] =	vst v63  }
0x30: {  	_ =	swait.ge [sflag:s14], $0x4000  }
0x31: {  	[sflag:s14] =	ssyncset.done $0x0  }
0x32: {  	[sflag:s14] =	ssyncadd.s32 $0xFFFFC000  }
0x33: {  	s29 =	simm.s32 $0x0;
	[bflag:$0x0] =	sbarrier.arrive $0xFFFF  }
0x34: {  	[tilespmem:s29], [sflag:$0x2] =	stream.linear.gather [hbm4b:s4+s29], $0x2780, $0x38;
	[tilespmem:$0x1D000] =	vst v63  }
0x35: {  	_ =	swait.ge [sflag:s14], $0x2780  }
0x36: {  	[sflag:s14] =	ssyncset.done $0x0  }
0x37: {  	[sflag:s14] =	ssyncadd.s32 $0xFFFFD880  }
0x38: {  	[tilespmem:s15], [sflag:$0x2] =	stream.linear.gather [hbm4b:s5+s29], $0x2780, $0x38;
	[tilespmem:$0x1D000] =	vst v63  }
0x39: {  	_ =	swait.ge [sflag:s14], $0x2780  }
0x3a: {  	[sflag:s14] =	ssyncset.done $0x0  }
0x3b: {  	s30 =	simm.s32 $0x0;
	[sflag:s14] =	ssyncadd.s32 $0xFFFFD880  }
0x3c: {  	[tilespmem:s13], [sflag:$0x1] =	stream.indirect.gather [hbm4b:s0+s16], $0x80, s30, s16, $0xb8;
	[tilespmem:$0x1D000] =	vst v63  }
0x3d: {  	_ =	swait.ge [sflag:s17], $0x4000  }
0x3e: {  	[sflag:s17] =	ssyncset.done $0x0  }
0x3f: {  	s31 =	simm.s32 $0x2800;
	[sflag:s17] =	ssyncadd.s32 $0xFFFFC000  }
0x40: {  	[spmem:s2] =	stream.indirect.scatter.add.f32 [tilespmem:s13], [sflag:$0x2], $0x80, s31, s16, $0xb8;
	[tilespmem:$0x1D000] =	vst v63  }
0x41: {  	_ =	swait.ge [sflag:s14], $0x4000  }
0x42: {  	s19 =	simm.s32 $0x200;
	s20 =	simm.s32 $0x400;
	[sflag:s14] =	ssyncset.done $0x0  }
.LBB2_4:
0x43: {  	s21 =	sshra.s32 s19, $0x2  }
0x44: {  	[sflag:s14] =	ssyncadd.s32 $0xFFFFC000;
	s19 =	smov.u32 s20;
	s22 =	sadd.s32 $0x200, s20  }
0x45: {  	[tilespmem:s13], [sflag:$0x1] =	stream.indirect.gather [hbm4b:s0+s16], $0x80, s21, s16, $0xb8;
	[tilespmem:$0x1D000] =	vst v63  }
0x46: {  	p1 =	sne.s32 s20, $0x9C00;
	_ =	swait.ge [sflag:s17], $0x4000  }
.Ltmp1:
0x47: {  	[sflag:s17] =	ssyncset.done $0x0;
	(pc) =	sbr.rel @p1 .LBB2_4-.Ltmp1, $4  }
0x48: {  	s20 =	sadd.s32 $0x2800, s21;
	[sflag:s17] =	ssyncadd.s32 $0xFFFFC000  }
0x49: {  	[spmem:s2] =	stream.indirect.scatter.add.f32 [tilespmem:s13], [sflag:$0x2], $0x80, s20, s16, $0xb8;
	[tilespmem:$0x1D000] =	vst v63  }
0x4a: {  	_ =	swait.ge [sflag:s14], $0x4000  }
0x4b: {  	s20 =	smov.u32 s22;
	[sflag:s14] =	ssyncset.done $0x0  }
0x4c: {  	s19 =	sshra.s32 s19, $0x2;
	[sflag:s14] =	ssyncadd.s32 $0xFFFFC000  }
0x4d: {  	[tilespmem:s13], [sflag:$0x1] =	stream.indirect.gather [hbm4b:s0+s16], $0x80, s19, s16, $0xb8;
	[tilespmem:$0x1D000] =	vst v63  }
0x4e: {  	_ =	swait.ge [sflag:s17], $0x4000  }
0x4f: {  	[sflag:s17] =	ssyncset.done $0x0  }
0x50: {  	s19 =	sadd.s32 $0x2800, s19;
	[sflag:s17] =	ssyncadd.s32 $0xFFFFC000  }
0x51: {  	[spmem:s2] =	stream.indirect.scatter.add.f32 [tilespmem:s13], [sflag:$0x2], $0x80, s19, s16, $0xb8;
	[tilespmem:$0x1D000] =	vst v63  }
0x52: {  	_ =	swait.ge [sflag:s14], $0x4000  }
0x53: {  	[sflag:s14] =	ssyncset.done $0x0  }
0x54: {  	s3 =	sadd.s32 $0x1, s3;
	[sflag:s14] =	ssyncadd.s32 $0xFFFFC000  }
0x55: {  	p1 =	sne.s32 s3, s8;
	s19 =	simm.s32 @!p0 $0x1C02;
	[bflag:$0x0] =	sbarrier.arrive $0xFFFF  }
0x56: {  	[hbm:s6], [sflag:s19] =	dma.local @!p0 [spmem:s18], $0x27100  }
.Ltmp2:
0x57: {  	_ = 	snop;
	(pc) =	sbr.rel @p1 .LBB2_1-.Ltmp2, $4  }
0x58: {  	s19 =	simm.s32 @!p0 $0x2  }
0x59: {  	_ =	swait.ge @!p0 [sflag:s19], $0x27100  }
0x5a: {  	[sflag:s19] =	ssyncset.done @!p0 $0x0  }
0x5b: {  	[sflag:s19] =	ssyncadd.s32 @!p0 $0xFFFD8F00  }
0x5c: {  	_ =	sfence.sel $0x180000  }
0x5d: {  	[bflag:$0x0] =	sbarrier.arrive $0xFFFF  }
0x5e: {  	_ =	strace $0x9000004D  }
0x5f: {  	s0 =	sadd.s32 @!p0 $0x100000, s1;
	[bflag:$0x2] =	sbarrier.arrive $0xFFFF  }
0x60: {  	[sflag:s0] =	ssyncadd.tile.s32 @!p0 $0x1;
	_ =	shalt  }
.Lfunc_end2:
_tile_overlayer_lowered:
.L_overlay_start_2:
0x61: {  	(tag) =	ssettag $0x2  }
0x62: {  	s0 =	rddreg [dreg:$0x0];
	s2 =	stileid.u32  }
0x63: {  	s1 =	rddreg [dreg:$0x1];
	p0 =	sne.s32 s2, $0x0  }
0x64: {  	s3 =	rddreg [dreg:$0x2];
	[bflag:$0x3] =	sbarrier.arrive $0xFFFF;
	s2 =	simm.s32 @!p0 $0x1C02  }
0x65: {  	[timem:s3], [sflag:s2] =	dma.local @!p0 [hbm:s0], s1  }
0x66: {  	s0 =	simm.s32 @!p0 $0x2  }
0x67: {  	_ =	swait.ge @!p0 [sflag:s0], s1  }
0x68: {  	s1 =	ssub.s32 @!p0 $0x0, s1;
	[sflag:s0] =	ssyncset.done @!p0 $0x0  }
0x69: {  	[sflag:s0] =	ssyncadd.s32 @!p0 s1  }
0x6a: {  	[bflag:$0x3] =	sbarrier.arrive $0xFFFF  }
0x6b: {  	_ =	shalt  }

// kernel: kernel.8.cloned.1.call-start
scs
__scs_entry_jumppad:
0x0: {  	(pc) =	sbr.rel $0x88, $3  }
0x1: {  	(tag) =	ssettag $0x0;
	lr =	simm.s32 $0x1  }
0x2: {  	[smem:$0x3F9B] =	sst lr;
	_ =	strace $0xD0000000  }
0x3: {  	_ = 	snop  }
0x4: {  	_ = 	snop  }
0x5: {  	_ = 	snop  }
0x6: {  	_ = 	snop  }
0x7: {  	_ = 	snop  }
__scs_overlays_trampoline_lowered:
0x8: {  	[smem:$0x3FAA] =	sst s0  }
0x9: {  	[smem:$0x3FAB] =	sst s1  }
0xa: {  	[smem:$0x3FAC] =	sst s2  }
0xb: {  	[smem:$0x3FAD] =	sst s3  }
0xc: {  	[smem:$0x3FAE] =	sst s4  }
0xd: {  	[smem:$0x3FAF] =	sst s5  }
0xe: {  	[smem:$0x3FB0] =	sst s6  }
0xf: {  	[smem:$0x3FB1] =	sst s7  }
0x10: {  	[smem:$0x3FB2] =	sst s8  }
0x11: {  	[smem:$0x3FB3] =	sst s9;
	s0 =	simm.s32 @!p0 $0x0  }
0x12: {  	s1 =	sld [smem:$0x3F99];
	s0 =	simm.s32 @p0 $0x1  }
0x13: {  	[smem:$0x3FB4] =	sst s0;
	s0 =	simm.s32 @!p1 $0x0  }
0x14: {  	s2 =	sld [smem:$0x3F98];
	s0 =	simm.s32 @p1 $0x1  }
0x15: {  	[smem:$0x3FB5] =	sst s0;
	s0 =	simm.s32 @!p2 $0x0  }
0x16: {  	s3 =	sld [smem:$0x3FDB];
	s0 =	simm.s32 @p2 $0x1  }
0x17: {  	s4 =	simm.s32 $0x1BF5;
	[smem:$0x3FB7] =	sst s0  }
0x18: {  	s0 =	sld [smem:$0x3F9A];
	_ =	swait.ge [sflag:s4], $0x0  }
0x19: {  	s7 =	sld [smem:$0x3F9B]  }
0x1a: {  	s8 =	sadd.s32 $0xFFFFE003, lr  }
0x1b: {  	s9 =	sadd.s32 $0xFFFFFEF7, lr;
	s5 =	simm.s32 $0xFFFFFFFF;
	p2 =	slt.u32 s8, $0xFFFFF086  }
0x1c: {  	p1 =	slt.u32 s9, $0xF7A;
	s5 =	simm.s32 @!p2 $0x0  }
0x1d: {  	s5 =	simm.s32 @p1 $0x1;
	p0 =	seq.s32 s7, s2  }
0x1e: {  	s7 =	smul.u32 @!p0 $0xF7A, s2;
	p2 =	seq.s32 @!p0 s5, $0x0  }
0x1f: {  	s9 =	smul.u32 $0xF7A, s1;
	s8 =	simm.s32 @!p0 $0x1BF5;
	p2 =	por !p2, p0  }
0x20: {  	[sflag:s8] =	ssyncset.s32 @!p0 $0xFFFFF086;
	s6 =	sadd.s32 @!p0 s3, s7;
	s7 =	simm.s32 @!p0 $0x108  }
0x21: {  	s3 =	sadd.s32 s3, s9;
	s6 =	sadd.s32 @!p0 $0x88, s6;
	s7 =	simm.s32 @p2 $0x1082  }
0x22: {  	[simem:s7], [sflag:s8] =	dma.local @!p0 [hbm:s6], $0xF7A  }
0x23: {  	s9 =	sor.u32 $0xD0000000, s2;
	s6 =	simm.s32 $0x108;
	_ =	swait.ge @!p0 [sflag:s8], $0x0  }
0x24: {  	s3 =	sadd.s32 $0x88, s3;
	s6 =	simm.s32 @!p1 $0x1082;
	[sflag:s4] =	ssyncset.s32 $0xFFFFF086  }
0x25: {  	[simem:s6], [sflag:s4] =	dma.local [hbm:s3], $0xF7A  }
0x26: {  	[smem:$0x3F9B] =	sst s1;
	(tag) =	ssettag s2;
	_ =	strace s9  }
0x27: {  	s1 =	sld [smem:$0x3FAB]  }
0x28: {  	s2 =	sld [smem:$0x3FAC]  }
0x29: {  	s4 =	sld [smem:$0x3FAE]  }
0x2a: {  	p0 =	seq.s32 s5, $0x0;
	s5 =	sld [smem:$0x3FAF]  }
0x2b: {  	s6 =	sld [smem:$0x3FB0]  }
0x2c: {  	s7 =	sld [smem:$0x3FB1]  }
0x2d: {  	s3 =	simm.s32 $0x108;
	s8 =	sld [smem:$0x3FB2]  }
0x2e: {  	s3 =	simm.s32 @!p0 $0x1082;
	s9 =	sld [smem:$0x3FB3]  }
0x2f: {  	lr =	sadd.s32 s0, s3;
	s0 =	sld [smem:$0x3FAA]  }
0x30: {  	s3 =	sld [smem:$0x3FAD]  }
0x31: {  	[smem:$0x3FB6] =	sst s10  }
0x32: {  	s10 =	sld [smem:$0x3FB4];
	_ =	sdelay $0x3  }
0x33: {  	p0 =	seq.s32 s10, $0x1;
	s10 =	sld [smem:$0x3FB6];
	_ =	sdelay $0x3  }
0x34: {  	[smem:$0x3FB6] =	sst s10  }
0x35: {  	s10 =	sld [smem:$0x3FB5];
	_ =	sdelay $0x3  }
0x36: {  	p1 =	seq.s32 s10, $0x1;
	s10 =	sld [smem:$0x3FB6];
	_ =	sdelay $0x3  }
0x37: {  	[smem:$0x3FB6] =	sst s10  }
0x38: {  	s10 =	sld [smem:$0x3FB7]  }
0x39: {  	_ = 	snop;
	(pc) =	sbr.ind lr, $3  }
0x3a: {  	_ = 	snop  }
0x3b: {  	_ = 	snop  }
0x3c: {  	p2 =	seq.s32 s10, $0x1;
	s10 =	sld [smem:$0x3FB6]  }
0x3d: {  	_ =	shalt  }
0x3e: {  	_ =	shalt  }
0x3f: {  	_ =	shalt  }
0x40: {  	_ =	shalt  }
0x41: {  	_ =	shalt  }
0x42: {  	_ =	shalt  }
0x43: {  	_ =	shalt  }
0x44: {  	_ =	shalt  }
0x45: {  	_ =	shalt  }
0x46: {  	_ =	shalt  }
0x47: {  	_ =	shalt  }
0x48: {  	_ =	shalt  }
0x49: {  	_ =	shalt  }
0x4a: {  	_ =	shalt  }
0x4b: {  	_ =	shalt  }
0x4c: {  	_ =	shalt  }
0x4d: {  	_ =	shalt  }
0x4e: {  	_ =	shalt  }
0x4f: {  	_ =	shalt  }
0x50: {  	_ =	shalt  }
0x51: {  	_ =	shalt  }
0x52: {  	_ =	shalt  }
0x53: {  	_ =	shalt  }
0x54: {  	_ =	shalt  }
0x55: {  	_ =	shalt  }
0x56: {  	_ =	shalt  }
0x57: {  	_ =	shalt  }
0x58: {  	_ =	shalt  }
0x59: {  	_ =	shalt  }
0x5a: {  	_ =	shalt  }
0x5b: {  	_ =	shalt  }
0x5c: {  	_ =	shalt  }
0x5d: {  	_ =	shalt  }
0x5e: {  	_ =	shalt  }
0x5f: {  	_ =	shalt  }
0x60: {  	_ =	shalt  }
0x61: {  	_ =	shalt  }
0x62: {  	_ =	shalt  }
0x63: {  	_ =	shalt  }
0x64: {  	_ =	shalt  }
0x65: {  	_ =	shalt  }
0x66: {  	_ =	shalt  }
0x67: {  	_ =	shalt  }
0x68: {  	_ =	shalt  }
0x69: {  	_ =	shalt  }
0x6a: {  	_ =	shalt  }
0x6b: {  	_ =	shalt  }
0x6c: {  	_ =	shalt  }
0x6d: {  	_ =	shalt  }
0x6e: {  	_ =	shalt  }
0x6f: {  	_ =	shalt  }
0x70: {  	_ =	shalt  }
0x71: {  	_ =	shalt  }
0x72: {  	_ =	shalt  }
0x73: {  	_ =	shalt  }
0x74: {  	_ =	shalt  }
0x75: {  	_ =	shalt  }
0x76: {  	_ =	shalt  }
0x77: {  	_ =	shalt  }
0x78: {  	_ =	shalt  }
0x79: {  	_ =	shalt  }
0x7a: {  	_ =	shalt  }
0x7b: {  	_ =	shalt  }
0x7c: {  	_ =	shalt  }
0x7d: {  	_ =	shalt  }
0x7e: {  	_ =	shalt  }
0x7f: {  	_ =	shalt  }
0x80: {  	_ =	shalt  }
0x81: {  	_ =	shalt  }
0x82: {  	_ =	shalt  }
0x83: {  	_ =	shalt  }
0x84: {  	_ =	shalt  }
0x85: {  	_ =	shalt  }
0x86: {  	_ =	shalt  }
0x87: {  	_ =	shalt  }
.Lfunc_end0:
.L_simem_size_0:
called_computation_lowered:
.L_overlay_start_0:
0x88: {  	s2 =	sld [smem:$0x3FD9]  }
0x89: {  	s3 =	sld [smem:$0x3FFE];
	_ =	sdelay $0x1  }
0x8a: {  	s1 =	srdreg.scid  }
0x8b: {  	s0 =	sand.u32 $0x1, s1  }
0x8c: {  	s16 =	sshll.u32 s0, $0xA;
	s2 =	sadd.s32 s3, s2  }
0x8d: {  	s2 =	sadd.s32 s2, s16  }
0x8e: {  	[smem:$0x3FC2] =	sst s2  }
0x8f: {  	_ = 	snop  }
0x90: {  	(tm) =	ssettm $0x1  }
0x91: {  	s17 =	sld [smem:$0x3FFB];
	_ =	sdelay $0x3  }
0x92: {  	_ =	strace s17  }
0x93: {  	s2 =	sld [smem:$0x3FFC];
	_ =	sdelay $0x3  }
0x94: {  	_ =	strace s2  }
0x95: {  	s2 =	sld [smem:$0x3FFD];
	_ =	sdelay $0x3  }
0x96: {  	_ =	strace s2  }
0x97: {  	_ =	strace $0x8FFFFFFF  }
0x98: {  	s18 =	sld [smem:$0x3FDB];
	_ =	sdelay $0x1  }
0x99: {  	s19 =	simm.s32 $_scs_section_size  }
0x9a: {  	s4 =	simm.s32 $_size__tile_overlayer_lowered;
	s5 =	simm.s32 $_tile_overlayer_lowered  }
0x9b: {  	s22 =	simm.s32 $0x1BFF;
	s21 =	sshll.u32 s5, $0x1;
	s2 =	sadd.s32 s19, s18  }
0x9c: {  	s6 =	simm.s32 $0x0;
	s20 =	sshll.u32 s4, $0x1;
	s4 =	sadd.s32 s21, s2  }
0x9d: {  	[timem:s6], [sflag:s22] =	dma.local [hbm:s4], s20  }
0x9e: {  	_ =	swait.ge [sflag:s22], s20  }
0x9f: {  	s3 =	ssub.s32 $0x0, s20;
	[sflag:s22] =	ssyncset.done $0x0  }
0xa0: {  	[sflag:s22] =	ssyncadd.s32 s3;
	_ =	sdelay $0x1  }
0xa1: {  	s23 =	simm.s32 $0x1B8B  }
0xa2: {  	_ =	swait.ge [sflag:s23], $0x1  }
0xa3: {  	[sflag:s23] =	ssyncset.done $0x0  }
0xa4: {  	s25 =	simm.s32 $0x1B8E;
	s24 =	sld [smem:$0x3FFE];
	[sflag:s23] =	ssyncadd.s32 $0xFFFFFFFF  }
0xa5: {  	s26 =	simm.s32 $execute0_lowered;
	[smem:$0x3FD2] =	sst s25  }
0xa6: {  	s4 =	sshll.u32 s26, $0x1;
	_ =	strace $0x80000046;
	[dreg:$0x1] =	wrdreg $0xFFFFFFFF  }
0xa7: {  	s28 =	simm.s32 $_size_execute0_lowered;
	s2 =	sadd.s32 s2, s4;
	[dreg:$0x0] =	wrdreg $0x0  }
0xa8: {  	s4 =	sshll.u32 s28, $0x1;
	[dreg:$0x2] =	wrdreg s2  }
0xa9: {  	[dreg:$0x3] =	wrdreg s4  }
0xaa: {  	[dreg:$0x4] =	wrdreg $0xC0  }
0xab: {  	_ =	task [dreg:s6], $0x5FFFF  }
0xac: {  	[dreg:$0x1] =	wrdreg $0xFFFFFFFF  }
0xad: {  	[dreg:$0x0] =	wrdreg $0x60  }
0xae: {  	[dreg:$0x2] =	wrdreg s24  }
0xaf: {  	[dreg:$0x3] =	wrdreg $0x68000  }
0xb0: {  	[dreg:$0x4] =	wrdreg $0x9  }
0xb1: {  	_ =	task.clear_ibuf [dreg:s6], $0x5FFFF;
	_ =	strace $0x90000046  }
0xb2: {  	s29 =	simm.s32 $0x9;
	_ =	strace $0x80000048  }
0xb3: {  	_ =	swait.ge [sflag:s29], $0x1  }
0xb4: {  	[sflag:s29] =	ssyncadd.s32 $0xFFFFFFFF  }
0xb5: {  	_ =	strace $0x90000048  }
0xb6: {  	_ =	sfence  }
0xb7: {  	s30 =	sld [smem:$0x0];
	_ =	sdelay $0x2  }
0xb8: {  	s31 =	sshll.u32 s1, $0xD;
	s1 =	sshrl.u32 s1, $0x2  }
0xb9: {  	s3 =	sand.u32 $0x4000, s31;
	s1 =	sadd.s32 s1, s30  }
0xba: {  	s0 =	sor.u32 s3, s0;
	s1 =	sshll.u32 s1, $0x11  }
0xbb: {  	s0 =	sor.u32 s1, s0  }
0xbc: {  	s0 =	sadd.s32 $0x8F2B, s0  }
0xbd: {  	[sflag:s0] =	ssyncadd.remote.s32 $0x1  }
0xbe: {  	_ =	sfence.sel $0xFFFF  }
0xbf: {  	[dreg:$0x0] =	wrdreg $0xFFFFFFFF;
	(pc) =	sbr.abs _section_cstart, $3  }
0xc0: {  	[dreg:$0x1] =	wrdreg $0xFFFFFFFF  }
0xc1: {  	_ =	task.clear_ibuf [dreg:s6], $0x2FFFF;
	_ =	strace $0x9FFFFFFF  }
0xc2: {  	(tm) =	ssettm $0x7FFFFFFF  }
0xc3: {  	_ =	shalt  }
tec
execute0_lowered:
.L_overlay_start_1:
0x0: {  	(tag) =	ssettag $0x1  }
0x1: {  	s0 =	srdreg.scid  }
0x2: {  	s12 =	stileid.u32;
	s3 =	rddreg [dreg:$0x0]  }
0x3: {  	s1 =	rddreg [dreg:$0x1];
	s2 =	simm.s32 $0x0;
	s11 =	simm.s32 $0x2800  }
0x4: {  	s13 =	simm.s32 $0x80;
	s4 =	sand.u32 $0x1, s0;
	s0 =	rddreg [dreg:$0x2]  }
0x5: {  	s30 =	sshll.u32 s12, $0x1;
	[smem:$0x7FF] =	sst s2;
	s7 =	smul.u32 $0x50000, s12  }
0x6: {  	p0 =	sne.s32 s12, $0x0;
	s12 =	simm.s32 $0x1;
	s5 =	sor.u32 s4, s30  }
0x7: {  	s6 =	smul.u32 $0x27100, s4;
	_ =	strace $0x80000047;
	s4 =	ssub.s32 $0x2, s4  }
0x8: {  	s14 =	sshrl.u32 @!p0 s1, $0x3;
	s5 =	smul.u32 $0x500, s5;
	s31 =	sshrl.u32 s4, $0x1  }
0x9: {  	s7 =	sshrl.u32 s7, $0x2;
	s6 =	sadd.s32 s6, s3;
	s8 =	ssub.s32 s4, s31  }
0xa: {  	s5 =	sadd.s32 s5, s3;
	s4 =	sadd.s32 $0xC200, s6;
	s6 =	sadd.s32 s7, s1  }
0xb: {  	s3 =	sadd.s32 $0x2200, s5;
	s5 =	smax.u32 s8, $0x1;
	s7 =	sadd.s32 $0x4000, s6  }
0xc: {  	v0 =	vimm.f32 $0.0e+00;
	v1 =	vimm.f32 $1.000000000e+00;
	s8 =	sadd.s32 $0x8000, s6;
	s9 =	sadd.s32 $0xC000, s6;
	s10 =	sadd.s32 $0x10000, s6  }
.LBB2_1:
0xd: {  	s15 =	simm.s32 $0x200;
	s16 =	simm.s32 $0x0  }
.LBB2_2:
0xe: {  	p1 =	sne.s32 s15, $0xFE00;
	[tilespmem:s16+$0x2800] =	vst v0;
	s16 =	smov.u32 s15;
	s15 =	sadd.s32 $0x200, s15  }
.Ltmp0:
0xf: {  	(pc) =	sbr.rel @p1 .LBB2_2-.Ltmp0, $2  }
0x10: {  	_ =	sdelay $0x2  }
0x11: {  	s16 =	sshra.s32 s16, $0x2  }
0x12: {  	[tilespmem:s16+$0x2800] =	vst v0  }
0x13: {  	[spmem:s6] =	stream.linear.scatter [tilespmem:s11], [sflag:$0x1], $0x4000, $0x38;
	[tilespmem:$0x9000] =	vst v63  }
0x14: {  	_ =	swait.ge [sflag:s12], $0x4000  }
0x15: {  	[sflag:s12] =	ssyncset.done $0x0  }
0x16: {  	[sflag:s12] =	ssyncadd.s32 $0xFFFFC000  }
0x17: {  	[spmem:s7] =	stream.linear.scatter [tilespmem:s11], [sflag:$0x1], $0x4000, $0x38;
	[tilespmem:$0x9000] =	vst v63  }
0x18: {  	_ =	swait.ge [sflag:s12], $0x4000  }
0x19: {  	[sflag:s12] =	ssyncset.done $0x0  }
0x1a: {  	[sflag:s12] =	ssyncadd.s32 $0xFFFFC000  }
0x1b: {  	[spmem:s8] =	stream.linear.scatter [tilespmem:s11], [sflag:$0x1], $0x4000, $0x38;
	[tilespmem:$0x9000] =	vst v63  }
0x1c: {  	_ =	swait.ge [sflag:s12], $0x4000  }
0x1d: {  	[sflag:s12] =	ssyncset.done $0x0  }
0x1e: {  	[sflag:s12] =	ssyncadd.s32 $0xFFFFC000  }
0x1f: {  	[spmem:s9] =	stream.linear.scatter [tilespmem:s11], [sflag:$0x1], $0x4000, $0x38;
	[tilespmem:$0x9000] =	vst v63  }
0x20: {  	_ =	swait.ge [sflag:s12], $0x4000  }
0x21: {  	[sflag:s12] =	ssyncset.done $0x0  }
0x22: {  	[sflag:s12] =	ssyncadd.s32 $0xFFFFC000  }
0x23: {  	[spmem:s10] =	stream.linear.scatter [tilespmem:s11], [sflag:$0x1], $0x4000, $0x38;
	[tilespmem:$0x9000] =	vst v63  }
0x24: {  	_ =	swait.ge [sflag:s12], $0x4000  }
0x25: {  	[sflag:s12] =	ssyncset.done $0x0  }
0x26: {  	s15 =	simm.s32 $0x200;
	s16 =	simm.s32 $0x0;
	[sflag:s12] =	ssyncadd.s32 $0xFFFFC000  }
.LBB2_4:
0x27: {  	p1 =	sne.s32 s15, $0xFE00;
	[tilespmem:s16+$0x2800] =	vst v1;
	s16 =	smov.u32 s15;
	s15 =	sadd.s32 $0x200, s15  }
.Ltmp1:
0x28: {  	(pc) =	sbr.rel @p1 .LBB2_4-.Ltmp1, $2  }
0x29: {  	_ =	sdelay $0x2  }
0x2a: {  	s16 =	sshra.s32 s16, $0x2  }
0x2b: {  	[tilespmem:s16+$0x2800] =	vst v1  }
0x2c: {  	s15 =	simm.s32 $0x0;
	[bflag:$0x0] =	sbarrier.arrive $0xFFFF  }
0x2d: {  	[tilespmem:s15], [sflag:$0x1] =	stream.linear.gather [hbm4b:s3+s15], $0x2780, $0x38;
	[tilespmem:$0x9000] =	vst v63  }
0x2e: {  	_ =	swait.ge [sflag:s12], $0x2780  }
0x2f: {  	[sflag:s12] =	ssyncset.done $0x0  }
0x30: {  	s31 =	simm.s32 $0x0;
	[sflag:s12] =	ssyncadd.s32 $0xFFFFD880  }
0x31: {  	[spmem:s1] =	stream.indirect.scatter.add.f32 [tilespmem:s11], [sflag:$0x1], $0x10, s31, s13, $0xb8;
	[tilespmem:$0x9000] =	vst v63  }
0x32: {  	_ =	swait.ge [sflag:s12], $0x800  }
0x33: {  	s15 =	simm.s32 $0x200;
	[sflag:s12] =	ssyncset.done $0x0  }
.LBB2_6:
0x34: {  	s16 =	sshra.s32 s15, $0x2;
	[sflag:s12] =	ssyncadd.s32 $0xFFFFF800;
	p1 =	sne.s32 s15, $0x9C00  }
0x35: {  	[spmem:s1] =	stream.indirect.scatter.add.f32 [tilespmem:s11], [sflag:$0x1], $0x10, s16, s13, $0xb8;
	[tilespmem:$0x9000] =	vst v63  }
.Ltmp2:
0x36: {  	_ = 	snop;
	(pc) =	sbr.rel @p1 .LBB2_6-.Ltmp2, $4  }
0x37: {  	_ = 	snop  }
0x38: {  	s15 =	sadd.s32 $0x200, s15  }
0x39: {  	_ =	swait.ge [sflag:s12], $0x800  }
0x3a: {  	[sflag:s12] =	ssyncset.done $0x0  }
0x3b: {  	[sflag:s12] =	ssyncadd.s32 $0xFFFFF800;
	s2 =	sadd.s32 $0x1, s2  }
0x3c: {  	s15 =	simm.s32 @!p0 $0x1C01;
	[bflag:$0x0] =	sbarrier.arrive $0xFFFF;
	p1 =	sne.s32 s2, s5  }
0x3d: {  	[hbm:s4], [sflag:s15] =	dma.local @!p0 [spmem:s14], $0x27100  }
.Ltmp3:
0x3e: {  	_ = 	snop;
	(pc) =	sbr.rel @p1 .LBB2_1-.Ltmp3, $4  }
0x3f: {  	s15 =	simm.s32 @!p0 $0x1  }
0x40: {  	_ =	swait.ge @!p0 [sflag:s15], $0x27100  }
0x41: {  	[sflag:s15] =	ssyncset.done @!p0 $0x0  }
0x42: {  	[sflag:s15] =	ssyncadd.s32 @!p0 $0xFFFD8F00  }
0x43: {  	_ =	sfence.sel $0x180000  }
0x44: {  	[bflag:$0x0] =	sbarrier.arrive $0xFFFF  }
0x45: {  	_ =	strace $0x90000047  }
0x46: {  	s0 =	sadd.s32 @!p0 $0x100000, s0;
	[bflag:$0x2] =	sbarrier.arrive $0xFFFF  }
0x47: {  	[sflag:s0] =	ssyncadd.tile.s32 @!p0 $0x1;
	_ =	shalt  }
.Lfunc_end2:
_tile_overlayer_lowered:
.L_overlay_start_2:
0x48: {  	(tag) =	ssettag $0x2  }
0x49: {  	s0 =	rddreg [dreg:$0x0];
	s2 =	stileid.u32  }
0x4a: {  	s1 =	rddreg [dreg:$0x1];
	p0 =	sne.s32 s2, $0x0  }
0x4b: {  	s3 =	rddreg [dreg:$0x2];
	[bflag:$0x3] =	sbarrier.arrive $0xFFFF;
	s2 =	simm.s32 @!p0 $0x1C01  }
0x4c: {  	[timem:s3], [sflag:s2] =	dma.local @!p0 [hbm:s0], s1  }
0x4d: {  	s0 =	simm.s32 @!p0 $0x1  }
0x4e: {  	_ =	swait.ge @!p0 [sflag:s0], s1  }
0x4f: {  	s1 =	ssub.s32 @!p0 $0x0, s1;
	[sflag:s0] =	ssyncset.done @!p0 $0x0  }
0x50: {  	[sflag:s0] =	ssyncadd.s32 @!p0 s1  }
0x51: {  	[bflag:$0x3] =	sbarrier.arrive $0xFFFF  }
0x52: {  	_ =	shalt  }

</sc_bundles>
